<compile_context>
chip_gen: v7x
topology: tpu7x:2x2x1
jax: 0.10.2.dev20260603
libtpu: 0.0.44.dev20260713+nightly
codegen_flags: <defaults>
</compile_context>

<pallas_src>
import functools

import numpy as np
import jax
import jax.numpy as jnp
from jax.experimental import pallas as pl

_SR = 44100.0
_N_FFT = 2048
_N_BANDS = 64
_N_BINS = _N_FFT // 2 + 1
_OUT_CH = 32
_GROUP = 4
_FT = 128
_TC = 256


def _band_geometry():
    mel_pts = np.arange(_N_BANDS + 1) * (
        2595 * np.log10(1 + (_SR / 2) / 700) / _N_BANDS)
    f_pts = 700 * (10 ** (mel_pts / 2595) - 1)
    mel_f = (f_pts[1:] + f_pts[:-1]) / 2
    df = _SR / _N_FFT
    linear_f = np.arange(_N_BINS) * df
    banks = np.zeros((_N_BANDS, _N_BINS))
    i = 0
    for j in range(_N_BINS):
        if 0 <= linear_f[j] <= mel_f[i]:
            banks[i, j] = 1
        elif mel_f[i] < linear_f[j] <= mel_f[i + 1]:
            banks[i, j] = (mel_f[i + 1] - linear_f[j]) / (mel_f[i + 1] - mel_f[i])
    for i in range(1, _N_BANDS - 1):
        for j in range(_N_BINS):
            if mel_f[i - 1] < linear_f[j] <= mel_f[i]:
                banks[i, j] = (linear_f[j] - mel_f[i - 1]) / (mel_f[i] - mel_f[i - 1])
            elif mel_f[i] < linear_f[j] <= mel_f[i + 1]:
                banks[i, j] = (mel_f[i + 1] - linear_f[j]) / (mel_f[i + 1] - mel_f[i])
    i = _N_BANDS - 1
    for j in range(_N_BINS):
        if mel_f[i - 1] < linear_f[j] <= mel_f[i]:
            banks[i, j] = (linear_f[j] - mel_f[i - 1]) / (mel_f[i] - mel_f[i - 1])
        elif mel_f[i] < linear_f[j] <= _SR / 2:
            banks[i, j] = 1
    for i in range(1, _N_BANDS):
        if np.sum(banks[i]) == 0:
            banks[i] = banks[i - 1]
    nz = [np.nonzero(np.abs(banks[f]) > 1e-06)[0] for f in range(_N_BANDS)]
    starts = np.array([ix[0] for ix in nz], dtype=np.int64)
    lens = np.array([len(ix) for ix in nz], dtype=np.int64)
    wb = int(lens.max())
    return starts, lens, wb


_STARTS, _LENS, _WB = _band_geometry()

_PAIRS = []
for _g in range(_N_BANDS // _GROUP):
    _ks = range(_GROUP * _g, _GROUP * (_g + 1))
    _t0 = min(_STARTS[_k] // _FT for _k in _ks)
    _t1 = max(min(_STARTS[_k] + _LENS[_k] - 1, _N_BINS - 2) // _FT for _k in _ks)
    for _j in range(_t0, _t1 + 1):
        _PAIRS.append((_g, int(_j)))
_NPAIRS = len(_PAIRS)

_PK = np.zeros((_NPAIRS, _GROUP, _FT), dtype=np.int32)
_PW = np.zeros((_NPAIRS, _GROUP, _FT), dtype=np.int32)
_PV = np.zeros((_NPAIRS, _GROUP, _FT), dtype=np.float32)
for _p, (_g, _j) in enumerate(_PAIRS):
    for _b in range(_GROUP):
        _k = _GROUP * _g + _b
        _fg = _j * _FT + np.arange(_FT)
        _wp = _fg - _STARTS[_k]
        _valid = (_wp >= 0) & (_wp < _LENS[_k]) & (_fg <= _N_BINS - 2)
        _PK[_p, _b] = _k
        _PW[_p, _b] = np.clip(_wp, 0, _WB - 1)
        _PV[_p, _b] = _valid.astype(np.float32)

_GROUPS_TILES = [[] for _ in range(_N_BANDS // _GROUP)]
for _p, (_g, _j) in enumerate(_PAIRS):
    _GROUPS_TILES[_g].append((_p, _j))

_LAST_K = int(np.nonzero((_STARTS <= _N_BINS - 1)
                         & (_STARTS + _LENS > _N_BINS - 1))[0][-1])
_LAST_W = int(_N_BINS - 1 - _STARTS[_LAST_K])


def _fold_weights(pre_W, nonzero_melbanks, mask):
    coef = nonzero_melbanks * mask
    cpf = coef[_PK, _PW] * _PV
    rows = 2 * _PW
    w0 = pre_W[_PK, rows]
    w1 = pre_W[_PK, rows + 1]
    wv = jnp.stack([w0, w1], axis=3) * cpf[..., None, None]
    wt = jnp.transpose(wv, (0, 3, 2, 1, 4)).reshape(_NPAIRS, 2, _FT, 128)
    b_in_g = _LAST_K % _GROUP
    c1024 = coef[_LAST_K, _LAST_W]
    wlast = jnp.zeros((2, 1, 128), jnp.float32)
    wlast = wlast.at[:, 0, b_in_g * _OUT_CH:(b_in_g + 1) * _OUT_CH].set(
        pre_W[_LAST_K, 2 * _LAST_W:2 * _LAST_W + 2] * c1024)
    return wt, wlast


def _band_kernel(x_ref, w_ref, wl_ref, bias_ref, out_ref):
    tc = x_ref.shape[2]
    res = []
    for g, ptiles in enumerate(_GROUPS_TILES):
        acc = None
        for (p, j) in ptiles:
            for c in range(2):
                xt = x_ref[0, c, :, j * _FT:(j + 1) * _FT]
                m = jnp.dot(xt, w_ref[p, c],
                            preferred_element_type=jnp.float32)
                acc = m if acc is None else acc + m
        if g == _LAST_K // _GROUP:
            xl0 = x_ref[0, 0, :, _N_BINS - 1:_N_BINS]
            xl1 = x_ref[0, 1, :, _N_BINS - 1:_N_BINS]
            acc = acc + xl0 * wl_ref[0] + xl1 * wl_ref[1]
        res.append(acc)
    full = jnp.concatenate(res, axis=1) + bias_ref[:]
    full = full.reshape(tc, _N_BANDS, _OUT_CH)
    out_ref[0] = jnp.transpose(full, (2, 0, 1))


@jax.jit
def kernel(x, pre_W, pre_b, nonzero_melbanks, mask, nonzero_indexes):
    del nonzero_indexes
    B, C, T, F = x.shape
    wt, wlast = _fold_weights(pre_W, nonzero_melbanks, mask)
    bias = pre_b.reshape(1, _N_BANDS * _OUT_CH)
    grid = (B, T // _TC)
    out = pl.pallas_call(
        _band_kernel,
        grid=grid,
        in_specs=[
            pl.BlockSpec((1, C, _TC, F), lambda b, t: (b, 0, t, 0)),
            pl.BlockSpec((_NPAIRS, 2, _FT, 128), lambda b, t: (0, 0, 0, 0)),
            pl.BlockSpec((2, 1, 128), lambda b, t: (0, 0, 0)),
            pl.BlockSpec((1, _N_BANDS * _OUT_CH), lambda b, t: (0, 0)),
        ],
        out_specs=pl.BlockSpec((1, _OUT_CH, _TC, _N_BANDS),
                               lambda b, t: (b, 0, t, 0)),
        out_shape=jax.ShapeDtypeStruct((B, _OUT_CH, T, _N_BANDS), jnp.float32),
    )(x, wt, wlast, bias)
    return out

# --- scband reference (transcript-rebuilt; emitter-appended) ---
"""Pipeline reference for scband-band-split-42253888258227 (READ-ONLY COPY).

The authoritative reference and input builder live on the scoring server;
editing this copy changes nothing except your own understanding.
"""

import jax, jax.numpy as jnp
import numpy as np

SR = 44100.0
N_FFT = 2048
N_BANDS = 64
IN_CH = 2
OUT_CH = 32
B = 8
T = 1024

def hz_to_mel(f):
    return 2595 * np.log10(1 + f / 700)

def mel_to_hz(mel):
    return 700 * (10 ** (mel / 2595) - 1)

def _init_melbanks():
    N = N_FFT // 2 + 1
    mel = np.arange(N_BANDS + 1) * (hz_to_mel(SR / 2) / N_BANDS)
    _f = mel_to_hz(mel)
    mel_f = (_f[1:] + _f[0:-1]) / 2
    df = SR / N_FFT
    linear_f = np.arange(N) * df
    banks = np.zeros((N_BANDS, N))
    i = 0
    for j in range(N):
        if 0 <= linear_f[j] <= mel_f[i]:
            banks[i, j] = 1
        elif mel_f[i] < linear_f[j] <= mel_f[i + 1]:
            banks[i, j] = (mel_f[i + 1] - linear_f[j]) / (mel_f[i + 1] - mel_f[i])
    for i in range(1, N_BANDS - 1):
        for j in range(N):
            if mel_f[i - 1] < linear_f[j] <= mel_f[i]:
                banks[i, j] = (linear_f[j] - mel_f[i - 1]) / (mel_f[i] - mel_f[i - 1])
            elif mel_f[i] < linear_f[j] <= mel_f[i + 1]:
                banks[i, j] = (mel_f[i + 1] - linear_f[j]) / (mel_f[i + 1] - mel_f[i])
    i = N_BANDS - 1
    for j in range(N):
        if mel_f[i - 1] < linear_f[j] <= mel_f[i]:
            banks[i, j] = (linear_f[j] - mel_f[i - 1]) / (mel_f[i] - mel_f[i - 1])
        elif mel_f[i] < linear_f[j] <= SR / 2:
            banks[i, j] = 1
    for i in range(1, N_BANDS):
        if np.sum(banks[i]) == 0:
            banks[i] = banks[i - 1]
    ola_window = np.sum(banks, axis=0)
    return banks, ola_window

def _band_structs():
    banks, _ = _init_melbanks()
    nz_idx = []
    nz_mel = []
    for f in range(N_BANDS):
        idx = np.nonzero(np.abs(banks[f]) > 1e-06)[0]
        nz_idx.append(idx)
        nz_mel.append(banks[f, idx])
    Wb = max(len(i) for i in nz_idx)
    idx_pad = np.full((N_BANDS, Wb), N_FFT // 2, dtype=np.int64)
    mel_pad = np.zeros((N_BANDS, Wb))
    for f in range(N_BANDS):
        idx_pad[f, :len(nz_idx[f])] = nz_idx[f]
        mel_pad[f, :len(nz_mel[f])] = nz_mel[f]
    mask = (mel_pad != 0).astype(np.float64)
    return idx_pad, mel_pad, mask, Wb

def setup_inputs(seed: int = 0):
    key = jax.random.key(seed)
    k1, k2 = jax.random.split(key)
    idx, mel, mask, Wb = _band_structs()
    in_dim = Wb * IN_CH
    bound = 1.0 / np.sqrt(in_dim)
    x = jax.random.normal(k1, (B, IN_CH, T, N_FFT // 2 + 1), dtype=jnp.float32)
    pre_W = jax.random.uniform(k2, (N_BANDS, in_dim, OUT_CH), dtype=jnp.float32, minval=-bound, maxval=bound)
    pre_b = jnp.zeros((N_BANDS, OUT_CH), dtype=jnp.float32)
    return {"x": x, "pre_W": pre_W, "pre_b": pre_b,
            "nonzero_melbanks": jnp.asarray(mel, dtype=jnp.float32),
            "mask": jnp.asarray(mask, dtype=jnp.float32),
            "nonzero_indexes": jnp.asarray(idx, dtype=jnp.int32)}

def reference(x, pre_W, pre_b, nonzero_melbanks, mask, nonzero_indexes):
    Bq, C, Tq, Fq = x.shape
    K, Wb = nonzero_indexes.shape
    xg = jnp.take(x, nonzero_indexes.reshape(-1), axis=3)
    xg = xg * (nonzero_melbanks.reshape(-1) * mask.reshape(-1))
    xg = xg.reshape(Bq, C, Tq, K, Wb)
    xg = jnp.transpose(xg, (0, 2, 3, 4, 1)).reshape(Bq, Tq, K, Wb * C)
    out = jnp.einsum('btki,kio->btko', xg, pre_W) + pre_b
    return jnp.transpose(out, (0, 3, 1, 2))

if __name__ == "__main__":
    import jax
    _d = setup_inputs()
    print(jax.jit(kernel)(*tuple(_d.values())))

</pallas_src>

<mosaic_0001>
module attributes {stable_mosaic.version = 14 : i64} {
  func.func @_band_kernel(%arg0: i32, %arg1: i32, %arg2: memref<1x2x256x1025xf32, #tpu.memory_space<vmem>>, %arg3: memref<26x2x128x128xf32, #tpu.memory_space<vmem>>, %arg4: memref<2x1x128xf32, #tpu.memory_space<vmem>>, %arg5: memref<1x2048xf32, #tpu.memory_space<vmem>>, %arg6: memref<1x32x256x64xf32, #tpu.memory_space<vmem>>) attributes {dimension_semantics = [#tpu.dimension_semantics<arbitrary>, #tpu.dimension_semantics<arbitrary>], iteration_bounds = array<i64: 8, 4>, scalar_prefetch = 0 : i64, scratch_operands = 0 : i64, tpu.core_type = #tpu.core_type<tc>, window_params = [{transform_indices = @transform_0, window_bounds = array<i64: 1, 2, 256, 1025>}, {pipeline_mode = #tpu.pipeline_mode<synchronous>, transform_indices = @transform_1, window_bounds = array<i64: 26, 2, 128, 128>}, {pipeline_mode = #tpu.pipeline_mode<synchronous>, transform_indices = @transform_2, window_bounds = array<i64: 2, 1, 128>}, {pipeline_mode = #tpu.pipeline_mode<synchronous>, transform_indices = @transform_3, window_bounds = array<i64: 1, 2048>}, {transform_indices = @transform_4, window_bounds = array<i64: 1, 32, 256, 64>}]} {
    %get3A = arith.constant 0 : index
    %get3A_0 = arith.constant 0 : index
    %get3A_1 = arith.constant 0 : index
    %get3A_2 = arith.constant 0 : index
    %get3A_3 = vector.load %arg2[%get3A, %get3A_0, %get3A_1, %get3A_2] : memref<1x2x256x1025xf32, #tpu.memory_space<vmem>>, vector<1x1x256x128xf32>
    %get3A_4 = vector.shape_cast %get3A_3 : vector<1x1x256x128xf32> to vector<256x128xf32>
    %get3A_5 = arith.constant 0 : index
    %get3A_6 = arith.constant 0 : index
    %get3A_7 = arith.constant 0 : index
    %get3A_8 = arith.constant 0 : index
    %get3A_9 = vector.load %arg3[%get3A_5, %get3A_6, %get3A_7, %get3A_8] : memref<26x2x128x128xf32, #tpu.memory_space<vmem>>, vector<1x1x128x128xf32>
    %get3A_10 = vector.shape_cast %get3A_9 : vector<1x1x128x128xf32> to vector<128x128xf32>
    %dot_general3A = arith.constant dense<0.000000e+00> : vector<256x128xf32>
    %dot_general3A_11 = tpu.matmul %get3A_4, %get3A_10, %dot_general3A {dimension_numbers = #tpu.dot_dimension_numbers<[1], [0], [0], [1], [0, 0, 1, 1], [], []>, transpose_lhs_hint = false} : vector<256x128xf32>, vector<128x128xf32>, vector<256x128xf32> -> vector<256x128xf32>
    %get3A_12 = arith.constant 0 : index
    %get3A_13 = arith.constant 1 : index
    %get3A_14 = arith.constant 0 : index
    %get3A_15 = arith.constant 0 : index
    %get3A_16 = vector.load %arg2[%get3A_12, %get3A_13, %get3A_14, %get3A_15] : memref<1x2x256x1025xf32, #tpu.memory_space<vmem>>, vector<1x1x256x128xf32>
    %get3A_17 = vector.shape_cast %get3A_16 : vector<1x1x256x128xf32> to vector<256x128xf32>
    %get3A_18 = arith.constant 0 : index
    %get3A_19 = arith.constant 1 : index
    %get3A_20 = arith.constant 0 : index
    %get3A_21 = arith.constant 0 : index
    %get3A_22 = vector.load %arg3[%get3A_18, %get3A_19, %get3A_20, %get3A_21] : memref<26x2x128x128xf32, #tpu.memory_space<vmem>>, vector<1x1x128x128xf32>
    %get3A_23 = vector.shape_cast %get3A_22 : vector<1x1x128x128xf32> to vector<128x128xf32>
    %dot_general3A_24 = arith.constant dense<0.000000e+00> : vector<256x128xf32>
    %dot_general3A_25 = tpu.matmul %get3A_17, %get3A_23, %dot_general3A_24 {dimension_numbers = #tpu.dot_dimension_numbers<[1], [0], [0], [1], [0, 0, 1, 1], [], []>, transpose_lhs_hint = false} : vector<256x128xf32>, vector<128x128xf32>, vector<256x128xf32> -> vector<256x128xf32>
    %add3A = arith.addf %dot_general3A_11, %dot_general3A_25 : vector<256x128xf32>
    %get3A_26 = arith.constant 0 : index
    %get3A_27 = arith.constant 0 : index
    %get3A_28 = arith.constant 0 : index
    %get3A_29 = arith.constant 0 : index
    %get3A_30 = vector.load %arg2[%get3A_26, %get3A_27, %get3A_28, %get3A_29] : memref<1x2x256x1025xf32, #tpu.memory_space<vmem>>, vector<1x1x256x128xf32>
    %get3A_31 = vector.shape_cast %get3A_30 : vector<1x1x256x128xf32> to vector<256x128xf32>
    %get3A_32 = arith.constant 1 : index
    %get3A_33 = arith.constant 0 : index
    %get3A_34 = arith.constant 0 : index
    %get3A_35 = arith.constant 0 : index
    %get3A_36 = vector.load %arg3[%get3A_32, %get3A_33, %get3A_34, %get3A_35] : memref<26x2x128x128xf32, #tpu.memory_space<vmem>>, vector<1x1x128x128xf32>
    %get3A_37 = vector.shape_cast %get3A_36 : vector<1x1x128x128xf32> to vector<128x128xf32>
    %dot_general3A_38 = arith.constant dense<0.000000e+00> : vector<256x128xf32>
    %dot_general3A_39 = tpu.matmul %get3A_31, %get3A_37, %dot_general3A_38 {dimension_numbers = #tpu.dot_dimension_numbers<[1], [0], [0], [1], [0, 0, 1, 1], [], []>, transpose_lhs_hint = false} : vector<256x128xf32>, vector<128x128xf32>, vector<256x128xf32> -> vector<256x128xf32>
    %get3A_40 = arith.constant 0 : index
    %get3A_41 = arith.constant 1 : index
    %get3A_42 = arith.constant 0 : index
    %get3A_43 = arith.constant 0 : index
    %get3A_44 = vector.load %arg2[%get3A_40, %get3A_41, %get3A_42, %get3A_43] : memref<1x2x256x1025xf32, #tpu.memory_space<vmem>>, vector<1x1x256x128xf32>
    %get3A_45 = vector.shape_cast %get3A_44 : vector<1x1x256x128xf32> to vector<256x128xf32>
    %get3A_46 = arith.constant 1 : index
    %get3A_47 = arith.constant 1 : index
    %get3A_48 = arith.constant 0 : index
    %get3A_49 = arith.constant 0 : index
    %get3A_50 = vector.load %arg3[%get3A_46, %get3A_47, %get3A_48, %get3A_49] : memref<26x2x128x128xf32, #tpu.memory_space<vmem>>, vector<1x1x128x128xf32>
    %get3A_51 = vector.shape_cast %get3A_50 : vector<1x1x128x128xf32> to vector<128x128xf32>
    %dot_general3A_52 = arith.constant dense<0.000000e+00> : vector<256x128xf32>
    %dot_general3A_53 = tpu.matmul %get3A_45, %get3A_51, %dot_general3A_52 {dimension_numbers = #tpu.dot_dimension_numbers<[1], [0], [0], [1], [0, 0, 1, 1], [], []>, transpose_lhs_hint = false} : vector<256x128xf32>, vector<128x128xf32>, vector<256x128xf32> -> vector<256x128xf32>
    %add3A_54 = arith.addf %dot_general3A_39, %dot_general3A_53 : vector<256x128xf32>
    %get3A_55 = arith.constant 0 : index
    %get3A_56 = arith.constant 0 : index
    %get3A_57 = arith.constant 0 : index
    %get3A_58 = arith.constant 0 : index
    %get3A_59 = vector.load %arg2[%get3A_55, %get3A_56, %get3A_57, %get3A_58] : memref<1x2x256x1025xf32, #tpu.memory_space<vmem>>, vector<1x1x256x128xf32>
    %get3A_60 = vector.shape_cast %get3A_59 : vector<1x1x256x128xf32> to vector<256x128xf32>
    %get3A_61 = arith.constant 2 : index
    %get3A_62 = arith.constant 0 : index
    %get3A_63 = arith.constant 0 : index
    %get3A_64 = arith.constant 0 : index
    %get3A_65 = vector.load %arg3[%get3A_61, %get3A_62, %get3A_63, %get3A_64] : memref<26x2x128x128xf32, #tpu.memory_space<vmem>>, vector<1x1x128x128xf32>
    %get3A_66 = vector.shape_cast %get3A_65 : vector<1x1x128x128xf32> to vector<128x128xf32>
    %dot_general3A_67 = arith.constant dense<0.000000e+00> : vector<256x128xf32>
    %dot_general3A_68 = tpu.matmul %get3A_60, %get3A_66, %dot_general3A_67 {dimension_numbers = #tpu.dot_dimension_numbers<[1], [0], [0], [1], [0, 0, 1, 1], [], []>, transpose_lhs_hint = false} : vector<256x128xf32>, vector<128x128xf32>, vector<256x128xf32> -> vector<256x128xf32>
    %get3A_69 = arith.constant 0 : index
    %get3A_70 = arith.constant 1 : index
    %get3A_71 = arith.constant 0 : index
    %get3A_72 = arith.constant 0 : index
    %get3A_73 = vector.load %arg2[%get3A_69, %get3A_70, %get3A_71, %get3A_72] : memref<1x2x256x1025xf32, #tpu.memory_space<vmem>>, vector<1x1x256x128xf32>
    %get3A_74 = vector.shape_cast %get3A_73 : vector<1x1x256x128xf32> to vector<256x128xf32>
    %get3A_75 = arith.constant 2 : index
    %get3A_76 = arith.constant 1 : index
    %get3A_77 = arith.constant 0 : index
    %get3A_78 = arith.constant 0 : index
    %get3A_79 = vector.load %arg3[%get3A_75, %get3A_76, %get3A_77, %get3A_78] : memref<26x2x128x128xf32, #tpu.memory_space<vmem>>, vector<1x1x128x128xf32>
    %get3A_80 = vector.shape_cast %get3A_79 : vector<1x1x128x128xf32> to vector<128x128xf32>
    %dot_general3A_81 = arith.constant dense<0.000000e+00> : vector<256x128xf32>
    %dot_general3A_82 = tpu.matmul %get3A_74, %get3A_80, %dot_general3A_81 {dimension_numbers = #tpu.dot_dimension_numbers<[1], [0], [0], [1], [0, 0, 1, 1], [], []>, transpose_lhs_hint = false} : vector<256x128xf32>, vector<128x128xf32>, vector<256x128xf32> -> vector<256x128xf32>
    %add3A_83 = arith.addf %dot_general3A_68, %dot_general3A_82 : vector<256x128xf32>
    %get3A_84 = arith.constant 0 : index
    %get3A_85 = arith.constant 0 : index
    %get3A_86 = arith.constant 0 : index
    %get3A_87 = arith.constant 0 : index
    %get3A_88 = vector.load %arg2[%get3A_84, %get3A_85, %get3A_86, %get3A_87] : memref<1x2x256x1025xf32, #tpu.memory_space<vmem>>, vector<1x1x256x128xf32>
    %get3A_89 = vector.shape_cast %get3A_88 : vector<1x1x256x128xf32> to vector<256x128xf32>
    %get3A_90 = arith.constant 3 : index
    %get3A_91 = arith.constant 0 : index
    %get3A_92 = arith.constant 0 : index
    %get3A_93 = arith.constant 0 : index
    %get3A_94 = vector.load %arg3[%get3A_90, %get3A_91, %get3A_92, %get3A_93] : memref<26x2x128x128xf32, #tpu.memory_space<vmem>>, vector<1x1x128x128xf32>
    %get3A_95 = vector.shape_cast %get3A_94 : vector<1x1x128x128xf32> to vector<128x128xf32>
    %dot_general3A_96 = arith.constant dense<0.000000e+00> : vector<256x128xf32>
    %dot_general3A_97 = tpu.matmul %get3A_89, %get3A_95, %dot_general3A_96 {dimension_numbers = #tpu.dot_dimension_numbers<[1], [0], [0], [1], [0, 0, 1, 1], [], []>, transpose_lhs_hint = false} : vector<256x128xf32>, vector<128x128xf32>, vector<256x128xf32> -> vector<256x128xf32>
    %get3A_98 = arith.constant 0 : index
    %get3A_99 = arith.constant 1 : index
    %get3A_100 = arith.constant 0 : index
    %get3A_101 = arith.constant 0 : index
    %get3A_102 = vector.load %arg2[%get3A_98, %get3A_99, %get3A_100, %get3A_101] : memref<1x2x256x1025xf32, #tpu.memory_space<vmem>>, vector<1x1x256x128xf32>
    %get3A_103 = vector.shape_cast %get3A_102 : vector<1x1x256x128xf32> to vector<256x128xf32>
    %get3A_104 = arith.constant 3 : index
    %get3A_105 = arith.constant 1 : index
    %get3A_106 = arith.constant 0 : index
    %get3A_107 = arith.constant 0 : index
    %get3A_108 = vector.load %arg3[%get3A_104, %get3A_105, %get3A_106, %get3A_107] : memref<26x2x128x128xf32, #tpu.memory_space<vmem>>, vector<1x1x128x128xf32>
    %get3A_109 = vector.shape_cast %get3A_108 : vector<1x1x128x128xf32> to vector<128x128xf32>
    %dot_general3A_110 = arith.constant dense<0.000000e+00> : vector<256x128xf32>
    %dot_general3A_111 = tpu.matmul %get3A_103, %get3A_109, %dot_general3A_110 {dimension_numbers = #tpu.dot_dimension_numbers<[1], [0], [0], [1], [0, 0, 1, 1], [], []>, transpose_lhs_hint = false} : vector<256x128xf32>, vector<128x128xf32>, vector<256x128xf32> -> vector<256x128xf32>
    %add3A_112 = arith.addf %dot_general3A_97, %dot_general3A_111 : vector<256x128xf32>
    %get3A_113 = arith.constant 0 : index
    %get3A_114 = arith.constant 0 : index
    %get3A_115 = arith.constant 0 : index
    %get3A_116 = arith.constant 0 : index
    %get3A_117 = vector.load %arg2[%get3A_113, %get3A_114, %get3A_115, %get3A_116] : memref<1x2x256x1025xf32, #tpu.memory_space<vmem>>, vector<1x1x256x128xf32>
    %get3A_118 = vector.shape_cast %get3A_117 : vector<1x1x256x128xf32> to vector<256x128xf32>
    %get3A_119 = arith.constant 4 : index
    %get3A_120 = arith.constant 0 : index
    %get3A_121 = arith.constant 0 : index
    %get3A_122 = arith.constant 0 : index
    %get3A_123 = vector.load %arg3[%get3A_119, %get3A_120, %get3A_121, %get3A_122] : memref<26x2x128x128xf32, #tpu.memory_space<vmem>>, vector<1x1x128x128xf32>
    %get3A_124 = vector.shape_cast %get3A_123 : vector<1x1x128x128xf32> to vector<128x128xf32>
    %dot_general3A_125 = arith.constant dense<0.000000e+00> : vector<256x128xf32>
    %dot_general3A_126 = tpu.matmul %get3A_118, %get3A_124, %dot_general3A_125 {dimension_numbers = #tpu.dot_dimension_numbers<[1], [0], [0], [1], [0, 0, 1, 1], [], []>, transpose_lhs_hint = false} : vector<256x128xf32>, vector<128x128xf32>, vector<256x128xf32> -> vector<256x128xf32>
    %get3A_127 = arith.constant 0 : index
    %get3A_128 = arith.constant 1 : index
    %get3A_129 = arith.constant 0 : index
    %get3A_130 = arith.constant 0 : index
    %get3A_131 = vector.load %arg2[%get3A_127, %get3A_128, %get3A_129, %get3A_130] : memref<1x2x256x1025xf32, #tpu.memory_space<vmem>>, vector<1x1x256x128xf32>
    %get3A_132 = vector.shape_cast %get3A_131 : vector<1x1x256x128xf32> to vector<256x128xf32>
    %get3A_133 = arith.constant 4 : index
    %get3A_134 = arith.constant 1 : index
    %get3A_135 = arith.constant 0 : index
    %get3A_136 = arith.constant 0 : index
    %get3A_137 = vector.load %arg3[%get3A_133, %get3A_134, %get3A_135, %get3A_136] : memref<26x2x128x128xf32, #tpu.memory_space<vmem>>, vector<1x1x128x128xf32>
    %get3A_138 = vector.shape_cast %get3A_137 : vector<1x1x128x128xf32> to vector<128x128xf32>
    %dot_general3A_139 = arith.constant dense<0.000000e+00> : vector<256x128xf32>
    %dot_general3A_140 = tpu.matmul %get3A_132, %get3A_138, %dot_general3A_139 {dimension_numbers = #tpu.dot_dimension_numbers<[1], [0], [0], [1], [0, 0, 1, 1], [], []>, transpose_lhs_hint = false} : vector<256x128xf32>, vector<128x128xf32>, vector<256x128xf32> -> vector<256x128xf32>
    %add3A_141 = arith.addf %dot_general3A_126, %dot_general3A_140 : vector<256x128xf32>
    %get3A_142 = arith.constant 0 : index
    %get3A_143 = arith.constant 0 : index
    %get3A_144 = arith.constant 0 : index
    %get3A_145 = arith.constant 0 : index
    %get3A_146 = vector.load %arg2[%get3A_142, %get3A_143, %get3A_144, %get3A_145] : memref<1x2x256x1025xf32, #tpu.memory_space<vmem>>, vector<1x1x256x128xf32>
    %get3A_147 = vector.shape_cast %get3A_146 : vector<1x1x256x128xf32> to vector<256x128xf32>
    %get3A_148 = arith.constant 5 : index
    %get3A_149 = arith.constant 0 : index
    %get3A_150 = arith.constant 0 : index
    %get3A_151 = arith.constant 0 : index
    %get3A_152 = vector.load %arg3[%get3A_148, %get3A_149, %get3A_150, %get3A_151] : memref<26x2x128x128xf32, #tpu.memory_space<vmem>>, vector<1x1x128x128xf32>
    %get3A_153 = vector.shape_cast %get3A_152 : vector<1x1x128x128xf32> to vector<128x128xf32>
    %dot_general3A_154 = arith.constant dense<0.000000e+00> : vector<256x128xf32>
    %dot_general3A_155 = tpu.matmul %get3A_147, %get3A_153, %dot_general3A_154 {dimension_numbers = #tpu.dot_dimension_numbers<[1], [0], [0], [1], [0, 0, 1, 1], [], []>, transpose_lhs_hint = false} : vector<256x128xf32>, vector<128x128xf32>, vector<256x128xf32> -> vector<256x128xf32>
    %get3A_156 = arith.constant 0 : index
    %get3A_157 = arith.constant 1 : index
    %get3A_158 = arith.constant 0 : index
    %get3A_159 = arith.constant 0 : index
    %get3A_160 = vector.load %arg2[%get3A_156, %get3A_157, %get3A_158, %get3A_159] : memref<1x2x256x1025xf32, #tpu.memory_space<vmem>>, vector<1x1x256x128xf32>
    %get3A_161 = vector.shape_cast %get3A_160 : vector<1x1x256x128xf32> to vector<256x128xf32>
    %get3A_162 = arith.constant 5 : index
    %get3A_163 = arith.constant 1 : index
    %get3A_164 = arith.constant 0 : index
    %get3A_165 = arith.constant 0 : index
    %get3A_166 = vector.load %arg3[%get3A_162, %get3A_163, %get3A_164, %get3A_165] : memref<26x2x128x128xf32, #tpu.memory_space<vmem>>, vector<1x1x128x128xf32>
    %get3A_167 = vector.shape_cast %get3A_166 : vector<1x1x128x128xf32> to vector<128x128xf32>
    %dot_general3A_168 = arith.constant dense<0.000000e+00> : vector<256x128xf32>
    %dot_general3A_169 = tpu.matmul %get3A_161, %get3A_167, %dot_general3A_168 {dimension_numbers = #tpu.dot_dimension_numbers<[1], [0], [0], [1], [0, 0, 1, 1], [], []>, transpose_lhs_hint = false} : vector<256x128xf32>, vector<128x128xf32>, vector<256x128xf32> -> vector<256x128xf32>
    %add3A_170 = arith.addf %dot_general3A_155, %dot_general3A_169 : vector<256x128xf32>
    %get3A_171 = arith.constant 0 : index
    %get3A_172 = arith.constant 0 : index
    %get3A_173 = arith.constant 0 : index
    %get3A_174 = arith.constant 0 : index
    %get3A_175 = vector.load %arg2[%get3A_171, %get3A_172, %get3A_173, %get3A_174] : memref<1x2x256x1025xf32, #tpu.memory_space<vmem>>, vector<1x1x256x128xf32>
    %get3A_176 = vector.shape_cast %get3A_175 : vector<1x1x256x128xf32> to vector<256x128xf32>
    %get3A_177 = arith.constant 6 : index
    %get3A_178 = arith.constant 0 : index
    %get3A_179 = arith.constant 0 : index
    %get3A_180 = arith.constant 0 : index
    %get3A_181 = vector.load %arg3[%get3A_177, %get3A_178, %get3A_179, %get3A_180] : memref<26x2x128x128xf32, #tpu.memory_space<vmem>>, vector<1x1x128x128xf32>
    %get3A_182 = vector.shape_cast %get3A_181 : vector<1x1x128x128xf32> to vector<128x128xf32>
    %dot_general3A_183 = arith.constant dense<0.000000e+00> : vector<256x128xf32>
    %dot_general3A_184 = tpu.matmul %get3A_176, %get3A_182, %dot_general3A_183 {dimension_numbers = #tpu.dot_dimension_numbers<[1], [0], [0], [1], [0, 0, 1, 1], [], []>, transpose_lhs_hint = false} : vector<256x128xf32>, vector<128x128xf32>, vector<256x128xf32> -> vector<256x128xf32>
    %get3A_185 = arith.constant 0 : index
    %get3A_186 = arith.constant 1 : index
    %get3A_187 = arith.constant 0 : index
    %get3A_188 = arith.constant 0 : index
    %get3A_189 = vector.load %arg2[%get3A_185, %get3A_186, %get3A_187, %get3A_188] : memref<1x2x256x1025xf32, #tpu.memory_space<vmem>>, vector<1x1x256x128xf32>
    %get3A_190 = vector.shape_cast %get3A_189 : vector<1x1x256x128xf32> to vector<256x128xf32>
    %get3A_191 = arith.constant 6 : index
    %get3A_192 = arith.constant 1 : index
    %get3A_193 = arith.constant 0 : index
    %get3A_194 = arith.constant 0 : index
    %get3A_195 = vector.load %arg3[%get3A_191, %get3A_192, %get3A_193, %get3A_194] : memref<26x2x128x128xf32, #tpu.memory_space<vmem>>, vector<1x1x128x128xf32>
    %get3A_196 = vector.shape_cast %get3A_195 : vector<1x1x128x128xf32> to vector<128x128xf32>
    %dot_general3A_197 = arith.constant dense<0.000000e+00> : vector<256x128xf32>
    %dot_general3A_198 = tpu.matmul %get3A_190, %get3A_196, %dot_general3A_197 {dimension_numbers = #tpu.dot_dimension_numbers<[1], [0], [0], [1], [0, 0, 1, 1], [], []>, transpose_lhs_hint = false} : vector<256x128xf32>, vector<128x128xf32>, vector<256x128xf32> -> vector<256x128xf32>
    %add3A_199 = arith.addf %dot_general3A_184, %dot_general3A_198 : vector<256x128xf32>
    %get3A_200 = arith.constant 0 : index
    %get3A_201 = arith.constant 0 : index
    %get3A_202 = arith.constant 0 : index
    %get3A_203 = arith.constant 0 : index
    %get3A_204 = vector.load %arg2[%get3A_200, %get3A_201, %get3A_202, %get3A_203] : memref<1x2x256x1025xf32, #tpu.memory_space<vmem>>, vector<1x1x256x128xf32>
    %get3A_205 = vector.shape_cast %get3A_204 : vector<1x1x256x128xf32> to vector<256x128xf32>
    %get3A_206 = arith.constant 7 : index
    %get3A_207 = arith.constant 0 : index
    %get3A_208 = arith.constant 0 : index
    %get3A_209 = arith.constant 0 : index
    %get3A_210 = vector.load %arg3[%get3A_206, %get3A_207, %get3A_208, %get3A_209] : memref<26x2x128x128xf32, #tpu.memory_space<vmem>>, vector<1x1x128x128xf32>
    %get3A_211 = vector.shape_cast %get3A_210 : vector<1x1x128x128xf32> to vector<128x128xf32>
    %dot_general3A_212 = arith.constant dense<0.000000e+00> : vector<256x128xf32>
    %dot_general3A_213 = tpu.matmul %get3A_205, %get3A_211, %dot_general3A_212 {dimension_numbers = #tpu.dot_dimension_numbers<[1], [0], [0], [1], [0, 0, 1, 1], [], []>, transpose_lhs_hint = false} : vector<256x128xf32>, vector<128x128xf32>, vector<256x128xf32> -> vector<256x128xf32>
    %get3A_214 = arith.constant 0 : index
    %get3A_215 = arith.constant 1 : index
    %get3A_216 = arith.constant 0 : index
    %get3A_217 = arith.constant 0 : index
    %get3A_218 = vector.load %arg2[%get3A_214, %get3A_215, %get3A_216, %get3A_217] : memref<1x2x256x1025xf32, #tpu.memory_space<vmem>>, vector<1x1x256x128xf32>
    %get3A_219 = vector.shape_cast %get3A_218 : vector<1x1x256x128xf32> to vector<256x128xf32>
    %get3A_220 = arith.constant 7 : index
    %get3A_221 = arith.constant 1 : index
    %get3A_222 = arith.constant 0 : index
    %get3A_223 = arith.constant 0 : index
    %get3A_224 = vector.load %arg3[%get3A_220, %get3A_221, %get3A_222, %get3A_223] : memref<26x2x128x128xf32, #tpu.memory_space<vmem>>, vector<1x1x128x128xf32>
    %get3A_225 = vector.shape_cast %get3A_224 : vector<1x1x128x128xf32> to vector<128x128xf32>
    %dot_general3A_226 = arith.constant dense<0.000000e+00> : vector<256x128xf32>
    %dot_general3A_227 = tpu.matmul %get3A_219, %get3A_225, %dot_general3A_226 {dimension_numbers = #tpu.dot_dimension_numbers<[1], [0], [0], [1], [0, 0, 1, 1], [], []>, transpose_lhs_hint = false} : vector<256x128xf32>, vector<128x128xf32>, vector<256x128xf32> -> vector<256x128xf32>
    %add3A_228 = arith.addf %dot_general3A_213, %dot_general3A_227 : vector<256x128xf32>
    %get3A_229 = arith.constant 0 : index
    %get3A_230 = arith.constant 0 : index
    %get3A_231 = arith.constant 0 : index
    %get3A_232 = arith.constant 128 : index
    %get3A_233 = vector.load %arg2[%get3A_229, %get3A_230, %get3A_231, %get3A_232] : memref<1x2x256x1025xf32, #tpu.memory_space<vmem>>, vector<1x1x256x128xf32>
    %get3A_234 = vector.shape_cast %get3A_233 : vector<1x1x256x128xf32> to vector<256x128xf32>
    %get3A_235 = arith.constant 8 : index
    %get3A_236 = arith.constant 0 : index
    %get3A_237 = arith.constant 0 : index
    %get3A_238 = arith.constant 0 : index
    %get3A_239 = vector.load %arg3[%get3A_235, %get3A_236, %get3A_237, %get3A_238] : memref<26x2x128x128xf32, #tpu.memory_space<vmem>>, vector<1x1x128x128xf32>
    %get3A_240 = vector.shape_cast %get3A_239 : vector<1x1x128x128xf32> to vector<128x128xf32>
    %dot_general3A_241 = arith.constant dense<0.000000e+00> : vector<256x128xf32>
    %dot_general3A_242 = tpu.matmul %get3A_234, %get3A_240, %dot_general3A_241 {dimension_numbers = #tpu.dot_dimension_numbers<[1], [0], [0], [1], [0, 0, 1, 1], [], []>, transpose_lhs_hint = false} : vector<256x128xf32>, vector<128x128xf32>, vector<256x128xf32> -> vector<256x128xf32>
    %add3A_243 = arith.addf %add3A_228, %dot_general3A_242 : vector<256x128xf32>
    %get3A_244 = arith.constant 0 : index
    %get3A_245 = arith.constant 1 : index
    %get3A_246 = arith.constant 0 : index
    %get3A_247 = arith.constant 128 : index
    %get3A_248 = vector.load %arg2[%get3A_244, %get3A_245, %get3A_246, %get3A_247] : memref<1x2x256x1025xf32, #tpu.memory_space<vmem>>, vector<1x1x256x128xf32>
    %get3A_249 = vector.shape_cast %get3A_248 : vector<1x1x256x128xf32> to vector<256x128xf32>
    %get3A_250 = arith.constant 8 : index
    %get3A_251 = arith.constant 1 : index
    %get3A_252 = arith.constant 0 : index
    %get3A_253 = arith.constant 0 : index
    %get3A_254 = vector.load %arg3[%get3A_250, %get3A_251, %get3A_252, %get3A_253] : memref<26x2x128x128xf32, #tpu.memory_space<vmem>>, vector<1x1x128x128xf32>
    %get3A_255 = vector.shape_cast %get3A_254 : vector<1x1x128x128xf32> to vector<128x128xf32>
    %dot_general3A_256 = arith.constant dense<0.000000e+00> : vector<256x128xf32>
    %dot_general3A_257 = tpu.matmul %get3A_249, %get3A_255, %dot_general3A_256 {dimension_numbers = #tpu.dot_dimension_numbers<[1], [0], [0], [1], [0, 0, 1, 1], [], []>, transpose_lhs_hint = false} : vector<256x128xf32>, vector<128x128xf32>, vector<256x128xf32> -> vector<256x128xf32>
    %add3A_258 = arith.addf %add3A_243, %dot_general3A_257 : vector<256x128xf32>
    %get3A_259 = arith.constant 0 : index
    %get3A_260 = arith.constant 0 : index
    %get3A_261 = arith.constant 0 : index
    %get3A_262 = arith.constant 128 : index
    %get3A_263 = vector.load %arg2[%get3A_259, %get3A_260, %get3A_261, %get3A_262] : memref<1x2x256x1025xf32, #tpu.memory_space<vmem>>, vector<1x1x256x128xf32>
    %get3A_264 = vector.shape_cast %get3A_263 : vector<1x1x256x128xf32> to vector<256x128xf32>
    %get3A_265 = arith.constant 9 : index
    %get3A_266 = arith.constant 0 : index
    %get3A_267 = arith.constant 0 : index
    %get3A_268 = arith.constant 0 : index
    %get3A_269 = vector.load %arg3[%get3A_265, %get3A_266, %get3A_267, %get3A_268] : memref<26x2x128x128xf32, #tpu.memory_space<vmem>>, vector<1x1x128x128xf32>
    %get3A_270 = vector.shape_cast %get3A_269 : vector<1x1x128x128xf32> to vector<128x128xf32>
    %dot_general3A_271 = arith.constant dense<0.000000e+00> : vector<256x128xf32>
    %dot_general3A_272 = tpu.matmul %get3A_264, %get3A_270, %dot_general3A_271 {dimension_numbers = #tpu.dot_dimension_numbers<[1], [0], [0], [1], [0, 0, 1, 1], [], []>, transpose_lhs_hint = false} : vector<256x128xf32>, vector<128x128xf32>, vector<256x128xf32> -> vector<256x128xf32>
    %get3A_273 = arith.constant 0 : index
    %get3A_274 = arith.constant 1 : index
    %get3A_275 = arith.constant 0 : index
    %get3A_276 = arith.constant 128 : index
    %get3A_277 = vector.load %arg2[%get3A_273, %get3A_274, %get3A_275, %get3A_276] : memref<1x2x256x1025xf32, #tpu.memory_space<vmem>>, vector<1x1x256x128xf32>
    %get3A_278 = vector.shape_cast %get3A_277 : vector<1x1x256x128xf32> to vector<256x128xf32>
    %get3A_279 = arith.constant 9 : index
    %get3A_280 = arith.constant 1 : index
    %get3A_281 = arith.constant 0 : index
    %get3A_282 = arith.constant 0 : index
    %get3A_283 = vector.load %arg3[%get3A_279, %get3A_280, %get3A_281, %get3A_282] : memref<26x2x128x128xf32, #tpu.memory_space<vmem>>, vector<1x1x128x128xf32>
    %get3A_284 = vector.shape_cast %get3A_283 : vector<1x1x128x128xf32> to vector<128x128xf32>
    %dot_general3A_285 = arith.constant dense<0.000000e+00> : vector<256x128xf32>
    %dot_general3A_286 = tpu.matmul %get3A_278, %get3A_284, %dot_general3A_285 {dimension_numbers = #tpu.dot_dimension_numbers<[1], [0], [0], [1], [0, 0, 1, 1], [], []>, transpose_lhs_hint = false} : vector<256x128xf32>, vector<128x128xf32>, vector<256x128xf32> -> vector<256x128xf32>
    %add3A_287 = arith.addf %dot_general3A_272, %dot_general3A_286 : vector<256x128xf32>
    %get3A_288 = arith.constant 0 : index
    %get3A_289 = arith.constant 0 : index
    %get3A_290 = arith.constant 0 : index
    %get3A_291 = arith.constant 128 : index
    %get3A_292 = vector.load %arg2[%get3A_288, %get3A_289, %get3A_290, %get3A_291] : memref<1x2x256x1025xf32, #tpu.memory_space<vmem>>, vector<1x1x256x128xf32>
    %get3A_293 = vector.shape_cast %get3A_292 : vector<1x1x256x128xf32> to vector<256x128xf32>
    %get3A_294 = arith.constant 10 : index
    %get3A_295 = arith.constant 0 : index
    %get3A_296 = arith.constant 0 : index
    %get3A_297 = arith.constant 0 : index
    %get3A_298 = vector.load %arg3[%get3A_294, %get3A_295, %get3A_296, %get3A_297] : memref<26x2x128x128xf32, #tpu.memory_space<vmem>>, vector<1x1x128x128xf32>
    %get3A_299 = vector.shape_cast %get3A_298 : vector<1x1x128x128xf32> to vector<128x128xf32>
    %dot_general3A_300 = arith.constant dense<0.000000e+00> : vector<256x128xf32>
    %dot_general3A_301 = tpu.matmul %get3A_293, %get3A_299, %dot_general3A_300 {dimension_numbers = #tpu.dot_dimension_numbers<[1], [0], [0], [1], [0, 0, 1, 1], [], []>, transpose_lhs_hint = false} : vector<256x128xf32>, vector<128x128xf32>, vector<256x128xf32> -> vector<256x128xf32>
    %get3A_302 = arith.constant 0 : index
    %get3A_303 = arith.constant 1 : index
    %get3A_304 = arith.constant 0 : index
    %get3A_305 = arith.constant 128 : index
    %get3A_306 = vector.load %arg2[%get3A_302, %get3A_303, %get3A_304, %get3A_305] : memref<1x2x256x1025xf32, #tpu.memory_space<vmem>>, vector<1x1x256x128xf32>
    %get3A_307 = vector.shape_cast %get3A_306 : vector<1x1x256x128xf32> to vector<256x128xf32>
    %get3A_308 = arith.constant 10 : index
    %get3A_309 = arith.constant 1 : index
    %get3A_310 = arith.constant 0 : index
    %get3A_311 = arith.constant 0 : index
    %get3A_312 = vector.load %arg3[%get3A_308, %get3A_309, %get3A_310, %get3A_311] : memref<26x2x128x128xf32, #tpu.memory_space<vmem>>, vector<1x1x128x128xf32>
    %get3A_313 = vector.shape_cast %get3A_312 : vector<1x1x128x128xf32> to vector<128x128xf32>
    %dot_general3A_314 = arith.constant dense<0.000000e+00> : vector<256x128xf32>
    %dot_general3A_315 = tpu.matmul %get3A_307, %get3A_313, %dot_general3A_314 {dimension_numbers = #tpu.dot_dimension_numbers<[1], [0], [0], [1], [0, 0, 1, 1], [], []>, transpose_lhs_hint = false} : vector<256x128xf32>, vector<128x128xf32>, vector<256x128xf32> -> vector<256x128xf32>
    %add3A_316 = arith.addf %dot_general3A_301, %dot_general3A_315 : vector<256x128xf32>
    %get3A_317 = arith.constant 0 : index
    %get3A_318 = arith.constant 0 : index
    %get3A_319 = arith.constant 0 : index
    %get3A_320 = arith.constant 256 : index
    %get3A_321 = vector.load %arg2[%get3A_317, %get3A_318, %get3A_319, %get3A_320] : memref<1x2x256x1025xf32, #tpu.memory_space<vmem>>, vector<1x1x256x128xf32>
    %get3A_322 = vector.shape_cast %get3A_321 : vector<1x1x256x128xf32> to vector<256x128xf32>
    %get3A_323 = arith.constant 11 : index
    %get3A_324 = arith.constant 0 : index
    %get3A_325 = arith.constant 0 : index
    %get3A_326 = arith.constant 0 : index
    %get3A_327 = vector.load %arg3[%get3A_323, %get3A_324, %get3A_325, %get3A_326] : memref<26x2x128x128xf32, #tpu.memory_space<vmem>>, vector<1x1x128x128xf32>
    %get3A_328 = vector.shape_cast %get3A_327 : vector<1x1x128x128xf32> to vector<128x128xf32>
    %dot_general3A_329 = arith.constant dense<0.000000e+00> : vector<256x128xf32>
    %dot_general3A_330 = tpu.matmul %get3A_322, %get3A_328, %dot_general3A_329 {dimension_numbers = #tpu.dot_dimension_numbers<[1], [0], [0], [1], [0, 0, 1, 1], [], []>, transpose_lhs_hint = false} : vector<256x128xf32>, vector<128x128xf32>, vector<256x128xf32> -> vector<256x128xf32>
    %add3A_331 = arith.addf %add3A_316, %dot_general3A_330 : vector<256x128xf32>
    %get3A_332 = arith.constant 0 : index
    %get3A_333 = arith.constant 1 : index
    %get3A_334 = arith.constant 0 : index
    %get3A_335 = arith.constant 256 : index
    %get3A_336 = vector.load %arg2[%get3A_332, %get3A_333, %get3A_334, %get3A_335] : memref<1x2x256x1025xf32, #tpu.memory_space<vmem>>, vector<1x1x256x128xf32>
    %get3A_337 = vector.shape_cast %get3A_336 : vector<1x1x256x128xf32> to vector<256x128xf32>
    %get3A_338 = arith.constant 11 : index
    %get3A_339 = arith.constant 1 : index
    %get3A_340 = arith.constant 0 : index
    %get3A_341 = arith.constant 0 : index
    %get3A_342 = vector.load %arg3[%get3A_338, %get3A_339, %get3A_340, %get3A_341] : memref<26x2x128x128xf32, #tpu.memory_space<vmem>>, vector<1x1x128x128xf32>
    %get3A_343 = vector.shape_cast %get3A_342 : vector<1x1x128x128xf32> to vector<128x128xf32>
    %dot_general3A_344 = arith.constant dense<0.000000e+00> : vector<256x128xf32>
    %dot_general3A_345 = tpu.matmul %get3A_337, %get3A_343, %dot_general3A_344 {dimension_numbers = #tpu.dot_dimension_numbers<[1], [0], [0], [1], [0, 0, 1, 1], [], []>, transpose_lhs_hint = false} : vector<256x128xf32>, vector<128x128xf32>, vector<256x128xf32> -> vector<256x128xf32>
    %add3A_346 = arith.addf %add3A_331, %dot_general3A_345 : vector<256x128xf32>
    %get3A_347 = arith.constant 0 : index
    %get3A_348 = arith.constant 0 : index
    %get3A_349 = arith.constant 0 : index
    %get3A_350 = arith.constant 128 : index
    %get3A_351 = vector.load %arg2[%get3A_347, %get3A_348, %get3A_349, %get3A_350] : memref<1x2x256x1025xf32, #tpu.memory_space<vmem>>, vector<1x1x256x128xf32>
    %get3A_352 = vector.shape_cast %get3A_351 : vector<1x1x256x128xf32> to vector<256x128xf32>
    %get3A_353 = arith.constant 12 : index
    %get3A_354 = arith.constant 0 : index
    %get3A_355 = arith.constant 0 : index
    %get3A_356 = arith.constant 0 : index
    %get3A_357 = vector.load %arg3[%get3A_353, %get3A_354, %get3A_355, %get3A_356] : memref<26x2x128x128xf32, #tpu.memory_space<vmem>>, vector<1x1x128x128xf32>
    %get3A_358 = vector.shape_cast %get3A_357 : vector<1x1x128x128xf32> to vector<128x128xf32>
    %dot_general3A_359 = arith.constant dense<0.000000e+00> : vector<256x128xf32>
    %dot_general3A_360 = tpu.matmul %get3A_352, %get3A_358, %dot_general3A_359 {dimension_numbers = #tpu.dot_dimension_numbers<[1], [0], [0], [1], [0, 0, 1, 1], [], []>, transpose_lhs_hint = false} : vector<256x128xf32>, vector<128x128xf32>, vector<256x128xf32> -> vector<256x128xf32>
    %get3A_361 = arith.constant 0 : index
    %get3A_362 = arith.constant 1 : index
    %get3A_363 = arith.constant 0 : index
    %get3A_364 = arith.constant 128 : index
    %get3A_365 = vector.load %arg2[%get3A_361, %get3A_362, %get3A_363, %get3A_364] : memref<1x2x256x1025xf32, #tpu.memory_space<vmem>>, vector<1x1x256x128xf32>
    %get3A_366 = vector.shape_cast %get3A_365 : vector<1x1x256x128xf32> to vector<256x128xf32>
    %get3A_367 = arith.constant 12 : index
    %get3A_368 = arith.constant 1 : index
    %get3A_369 = arith.constant 0 : index
    %get3A_370 = arith.constant 0 : index
    %get3A_371 = vector.load %arg3[%get3A_367, %get3A_368, %get3A_369, %get3A_370] : memref<26x2x128x128xf32, #tpu.memory_space<vmem>>, vector<1x1x128x128xf32>
    %get3A_372 = vector.shape_cast %get3A_371 : vector<1x1x128x128xf32> to vector<128x128xf32>
    %dot_general3A_373 = arith.constant dense<0.000000e+00> : vector<256x128xf32>
    %dot_general3A_374 = tpu.matmul %get3A_366, %get3A_372, %dot_general3A_373 {dimension_numbers = #tpu.dot_dimension_numbers<[1], [0], [0], [1], [0, 0, 1, 1], [], []>, transpose_lhs_hint = false} : vector<256x128xf32>, vector<128x128xf32>, vector<256x128xf32> -> vector<256x128xf32>
    %add3A_375 = arith.addf %dot_general3A_360, %dot_general3A_374 : vector<256x128xf32>
    %get3A_376 = arith.constant 0 : index
    %get3A_377 = arith.constant 0 : index
    %get3A_378 = arith.constant 0 : index
    %get3A_379 = arith.constant 256 : index
    %get3A_380 = vector.load %arg2[%get3A_376, %get3A_377, %get3A_378, %get3A_379] : memref<1x2x256x1025xf32, #tpu.memory_space<vmem>>, vector<1x1x256x128xf32>
    %get3A_381 = vector.shape_cast %get3A_380 : vector<1x1x256x128xf32> to vector<256x128xf32>
    %get3A_382 = arith.constant 13 : index
    %get3A_383 = arith.constant 0 : index
    %get3A_384 = arith.constant 0 : index
    %get3A_385 = arith.constant 0 : index
    %get3A_386 = vector.load %arg3[%get3A_382, %get3A_383, %get3A_384, %get3A_385] : memref<26x2x128x128xf32, #tpu.memory_space<vmem>>, vector<1x1x128x128xf32>
    %get3A_387 = vector.shape_cast %get3A_386 : vector<1x1x128x128xf32> to vector<128x128xf32>
    %dot_general3A_388 = arith.constant dense<0.000000e+00> : vector<256x128xf32>
    %dot_general3A_389 = tpu.matmul %get3A_381, %get3A_387, %dot_general3A_388 {dimension_numbers = #tpu.dot_dimension_numbers<[1], [0], [0], [1], [0, 0, 1, 1], [], []>, transpose_lhs_hint = false} : vector<256x128xf32>, vector<128x128xf32>, vector<256x128xf32> -> vector<256x128xf32>
    %add3A_390 = arith.addf %add3A_375, %dot_general3A_389 : vector<256x128xf32>
    %get3A_391 = arith.constant 0 : index
    %get3A_392 = arith.constant 1 : index
    %get3A_393 = arith.constant 0 : index
    %get3A_394 = arith.constant 256 : index
    %get3A_395 = vector.load %arg2[%get3A_391, %get3A_392, %get3A_393, %get3A_394] : memref<1x2x256x1025xf32, #tpu.memory_space<vmem>>, vector<1x1x256x128xf32>
    %get3A_396 = vector.shape_cast %get3A_395 : vector<1x1x256x128xf32> to vector<256x128xf32>
    %get3A_397 = arith.constant 13 : index
    %get3A_398 = arith.constant 1 : index
    %get3A_399 = arith.constant 0 : index
    %get3A_400 = arith.constant 0 : index
    %get3A_401 = vector.load %arg3[%get3A_397, %get3A_398, %get3A_399, %get3A_400] : memref<26x2x128x128xf32, #tpu.memory_space<vmem>>, vector<1x1x128x128xf32>
    %get3A_402 = vector.shape_cast %get3A_401 : vector<1x1x128x128xf32> to vector<128x128xf32>
    %dot_general3A_403 = arith.constant dense<0.000000e+00> : vector<256x128xf32>
    %dot_general3A_404 = tpu.matmul %get3A_396, %get3A_402, %dot_general3A_403 {dimension_numbers = #tpu.dot_dimension_numbers<[1], [0], [0], [1], [0, 0, 1, 1], [], []>, transpose_lhs_hint = false} : vector<256x128xf32>, vector<128x128xf32>, vector<256x128xf32> -> vector<256x128xf32>
    %add3A_405 = arith.addf %add3A_390, %dot_general3A_404 : vector<256x128xf32>
    %get3A_406 = arith.constant 0 : index
    %get3A_407 = arith.constant 0 : index
    %get3A_408 = arith.constant 0 : index
    %get3A_409 = arith.constant 256 : index
    %get3A_410 = vector.load %arg2[%get3A_406, %get3A_407, %get3A_408, %get3A_409] : memref<1x2x256x1025xf32, #tpu.memory_space<vmem>>, vector<1x1x256x128xf32>
    %get3A_411 = vector.shape_cast %get3A_410 : vector<1x1x256x128xf32> to vector<256x128xf32>
    %get3A_412 = arith.constant 14 : index
    %get3A_413 = arith.constant 0 : index
    %get3A_414 = arith.constant 0 : index
    %get3A_415 = arith.constant 0 : index
    %get3A_416 = vector.load %arg3[%get3A_412, %get3A_413, %get3A_414, %get3A_415] : memref<26x2x128x128xf32, #tpu.memory_space<vmem>>, vector<1x1x128x128xf32>
    %get3A_417 = vector.shape_cast %get3A_416 : vector<1x1x128x128xf32> to vector<128x128xf32>
    %dot_general3A_418 = arith.constant dense<0.000000e+00> : vector<256x128xf32>
    %dot_general3A_419 = tpu.matmul %get3A_411, %get3A_417, %dot_general3A_418 {dimension_numbers = #tpu.dot_dimension_numbers<[1], [0], [0], [1], [0, 0, 1, 1], [], []>, transpose_lhs_hint = false} : vector<256x128xf32>, vector<128x128xf32>, vector<256x128xf32> -> vector<256x128xf32>
    %get3A_420 = arith.constant 0 : index
    %get3A_421 = arith.constant 1 : index
    %get3A_422 = arith.constant 0 : index
    %get3A_423 = arith.constant 256 : index
    %get3A_424 = vector.load %arg2[%get3A_420, %get3A_421, %get3A_422, %get3A_423] : memref<1x2x256x1025xf32, #tpu.memory_space<vmem>>, vector<1x1x256x128xf32>
    %get3A_425 = vector.shape_cast %get3A_424 : vector<1x1x256x128xf32> to vector<256x128xf32>
    %get3A_426 = arith.constant 14 : index
    %get3A_427 = arith.constant 1 : index
    %get3A_428 = arith.constant 0 : index
    %get3A_429 = arith.constant 0 : index
    %get3A_430 = vector.load %arg3[%get3A_426, %get3A_427, %get3A_428, %get3A_429] : memref<26x2x128x128xf32, #tpu.memory_space<vmem>>, vector<1x1x128x128xf32>
    %get3A_431 = vector.shape_cast %get3A_430 : vector<1x1x128x128xf32> to vector<128x128xf32>
    %dot_general3A_432 = arith.constant dense<0.000000e+00> : vector<256x128xf32>
    %dot_general3A_433 = tpu.matmul %get3A_425, %get3A_431, %dot_general3A_432 {dimension_numbers = #tpu.dot_dimension_numbers<[1], [0], [0], [1], [0, 0, 1, 1], [], []>, transpose_lhs_hint = false} : vector<256x128xf32>, vector<128x128xf32>, vector<256x128xf32> -> vector<256x128xf32>
    %add3A_434 = arith.addf %dot_general3A_419, %dot_general3A_433 : vector<256x128xf32>
    %get3A_435 = arith.constant 0 : index
    %get3A_436 = arith.constant 0 : index
    %get3A_437 = arith.constant 0 : index
    %get3A_438 = arith.constant 384 : index
    %get3A_439 = vector.load %arg2[%get3A_435, %get3A_436, %get3A_437, %get3A_438] : memref<1x2x256x1025xf32, #tpu.memory_space<vmem>>, vector<1x1x256x128xf32>
    %get3A_440 = vector.shape_cast %get3A_439 : vector<1x1x256x128xf32> to vector<256x128xf32>
    %get3A_441 = arith.constant 15 : index
    %get3A_442 = arith.constant 0 : index
    %get3A_443 = arith.constant 0 : index
    %get3A_444 = arith.constant 0 : index
    %get3A_445 = vector.load %arg3[%get3A_441, %get3A_442, %get3A_443, %get3A_444] : memref<26x2x128x128xf32, #tpu.memory_space<vmem>>, vector<1x1x128x128xf32>
    %get3A_446 = vector.shape_cast %get3A_445 : vector<1x1x128x128xf32> to vector<128x128xf32>
    %dot_general3A_447 = arith.constant dense<0.000000e+00> : vector<256x128xf32>
    %dot_general3A_448 = tpu.matmul %get3A_440, %get3A_446, %dot_general3A_447 {dimension_numbers = #tpu.dot_dimension_numbers<[1], [0], [0], [1], [0, 0, 1, 1], [], []>, transpose_lhs_hint = false} : vector<256x128xf32>, vector<128x128xf32>, vector<256x128xf32> -> vector<256x128xf32>
    %add3A_449 = arith.addf %add3A_434, %dot_general3A_448 : vector<256x128xf32>
    %get3A_450 = arith.constant 0 : index
    %get3A_451 = arith.constant 1 : index
    %get3A_452 = arith.constant 0 : index
    %get3A_453 = arith.constant 384 : index
    %get3A_454 = vector.load %arg2[%get3A_450, %get3A_451, %get3A_452, %get3A_453] : memref<1x2x256x1025xf32, #tpu.memory_space<vmem>>, vector<1x1x256x128xf32>
    %get3A_455 = vector.shape_cast %get3A_454 : vector<1x1x256x128xf32> to vector<256x128xf32>
    %get3A_456 = arith.constant 15 : index
    %get3A_457 = arith.constant 1 : index
    %get3A_458 = arith.constant 0 : index
    %get3A_459 = arith.constant 0 : index
    %get3A_460 = vector.load %arg3[%get3A_456, %get3A_457, %get3A_458, %get3A_459] : memref<26x2x128x128xf32, #tpu.memory_space<vmem>>, vector<1x1x128x128xf32>
    %get3A_461 = vector.shape_cast %get3A_460 : vector<1x1x128x128xf32> to vector<128x128xf32>
    %dot_general3A_462 = arith.constant dense<0.000000e+00> : vector<256x128xf32>
    %dot_general3A_463 = tpu.matmul %get3A_455, %get3A_461, %dot_general3A_462 {dimension_numbers = #tpu.dot_dimension_numbers<[1], [0], [0], [1], [0, 0, 1, 1], [], []>, transpose_lhs_hint = false} : vector<256x128xf32>, vector<128x128xf32>, vector<256x128xf32> -> vector<256x128xf32>
    %add3A_464 = arith.addf %add3A_449, %dot_general3A_463 : vector<256x128xf32>
    %get3A_465 = arith.constant 0 : index
    %get3A_466 = arith.constant 0 : index
    %get3A_467 = arith.constant 0 : index
    %get3A_468 = arith.constant 384 : index
    %get3A_469 = vector.load %arg2[%get3A_465, %get3A_466, %get3A_467, %get3A_468] : memref<1x2x256x1025xf32, #tpu.memory_space<vmem>>, vector<1x1x256x128xf32>
    %get3A_470 = vector.shape_cast %get3A_469 : vector<1x1x256x128xf32> to vector<256x128xf32>
    %get3A_471 = arith.constant 16 : index
    %get3A_472 = arith.constant 0 : index
    %get3A_473 = arith.constant 0 : index
    %get3A_474 = arith.constant 0 : index
    %get3A_475 = vector.load %arg3[%get3A_471, %get3A_472, %get3A_473, %get3A_474] : memref<26x2x128x128xf32, #tpu.memory_space<vmem>>, vector<1x1x128x128xf32>
    %get3A_476 = vector.shape_cast %get3A_475 : vector<1x1x128x128xf32> to vector<128x128xf32>
    %dot_general3A_477 = arith.constant dense<0.000000e+00> : vector<256x128xf32>
    %dot_general3A_478 = tpu.matmul %get3A_470, %get3A_476, %dot_general3A_477 {dimension_numbers = #tpu.dot_dimension_numbers<[1], [0], [0], [1], [0, 0, 1, 1], [], []>, transpose_lhs_hint = false} : vector<256x128xf32>, vector<128x128xf32>, vector<256x128xf32> -> vector<256x128xf32>
    %get3A_479 = arith.constant 0 : index
    %get3A_480 = arith.constant 1 : index
    %get3A_481 = arith.constant 0 : index
    %get3A_482 = arith.constant 384 : index
    %get3A_483 = vector.load %arg2[%get3A_479, %get3A_480, %get3A_481, %get3A_482] : memref<1x2x256x1025xf32, #tpu.memory_space<vmem>>, vector<1x1x256x128xf32>
    %get3A_484 = vector.shape_cast %get3A_483 : vector<1x1x256x128xf32> to vector<256x128xf32>
    %get3A_485 = arith.constant 16 : index
    %get3A_486 = arith.constant 1 : index
    %get3A_487 = arith.constant 0 : index
    %get3A_488 = arith.constant 0 : index
    %get3A_489 = vector.load %arg3[%get3A_485, %get3A_486, %get3A_487, %get3A_488] : memref<26x2x128x128xf32, #tpu.memory_space<vmem>>, vector<1x1x128x128xf32>
    %get3A_490 = vector.shape_cast %get3A_489 : vector<1x1x128x128xf32> to vector<128x128xf32>
    %dot_general3A_491 = arith.constant dense<0.000000e+00> : vector<256x128xf32>
    %dot_general3A_492 = tpu.matmul %get3A_484, %get3A_490, %dot_general3A_491 {dimension_numbers = #tpu.dot_dimension_numbers<[1], [0], [0], [1], [0, 0, 1, 1], [], []>, transpose_lhs_hint = false} : vector<256x128xf32>, vector<128x128xf32>, vector<256x128xf32> -> vector<256x128xf32>
    %add3A_493 = arith.addf %dot_general3A_478, %dot_general3A_492 : vector<256x128xf32>
    %get3A_494 = arith.constant 0 : index
    %get3A_495 = arith.constant 0 : index
    %get3A_496 = arith.constant 0 : index
    %get3A_497 = arith.constant 512 : index
    %get3A_498 = vector.load %arg2[%get3A_494, %get3A_495, %get3A_496, %get3A_497] : memref<1x2x256x1025xf32, #tpu.memory_space<vmem>>, vector<1x1x256x128xf32>
    %get3A_499 = vector.shape_cast %get3A_498 : vector<1x1x256x128xf32> to vector<256x128xf32>
    %get3A_500 = arith.constant 17 : index
    %get3A_501 = arith.constant 0 : index
    %get3A_502 = arith.constant 0 : index
    %get3A_503 = arith.constant 0 : index
    %get3A_504 = vector.load %arg3[%get3A_500, %get3A_501, %get3A_502, %get3A_503] : memref<26x2x128x128xf32, #tpu.memory_space<vmem>>, vector<1x1x128x128xf32>
    %get3A_505 = vector.shape_cast %get3A_504 : vector<1x1x128x128xf32> to vector<128x128xf32>
    %dot_general3A_506 = arith.constant dense<0.000000e+00> : vector<256x128xf32>
    %dot_general3A_507 = tpu.matmul %get3A_499, %get3A_505, %dot_general3A_506 {dimension_numbers = #tpu.dot_dimension_numbers<[1], [0], [0], [1], [0, 0, 1, 1], [], []>, transpose_lhs_hint = false} : vector<256x128xf32>, vector<128x128xf32>, vector<256x128xf32> -> vector<256x128xf32>
    %add3A_508 = arith.addf %add3A_493, %dot_general3A_507 : vector<256x128xf32>
    %get3A_509 = arith.constant 0 : index
    %get3A_510 = arith.constant 1 : index
    %get3A_511 = arith.constant 0 : index
    %get3A_512 = arith.constant 512 : index
    %get3A_513 = vector.load %arg2[%get3A_509, %get3A_510, %get3A_511, %get3A_512] : memref<1x2x256x1025xf32, #tpu.memory_space<vmem>>, vector<1x1x256x128xf32>
    %get3A_514 = vector.shape_cast %get3A_513 : vector<1x1x256x128xf32> to vector<256x128xf32>
    %get3A_515 = arith.constant 17 : index
    %get3A_516 = arith.constant 1 : index
    %get3A_517 = arith.constant 0 : index
    %get3A_518 = arith.constant 0 : index
    %get3A_519 = vector.load %arg3[%get3A_515, %get3A_516, %get3A_517, %get3A_518] : memref<26x2x128x128xf32, #tpu.memory_space<vmem>>, vector<1x1x128x128xf32>
    %get3A_520 = vector.shape_cast %get3A_519 : vector<1x1x128x128xf32> to vector<128x128xf32>
    %dot_general3A_521 = arith.constant dense<0.000000e+00> : vector<256x128xf32>
    %dot_general3A_522 = tpu.matmul %get3A_514, %get3A_520, %dot_general3A_521 {dimension_numbers = #tpu.dot_dimension_numbers<[1], [0], [0], [1], [0, 0, 1, 1], [], []>, transpose_lhs_hint = false} : vector<256x128xf32>, vector<128x128xf32>, vector<256x128xf32> -> vector<256x128xf32>
    %add3A_523 = arith.addf %add3A_508, %dot_general3A_522 : vector<256x128xf32>
    %get3A_524 = arith.constant 0 : index
    %get3A_525 = arith.constant 0 : index
    %get3A_526 = arith.constant 0 : index
    %get3A_527 = arith.constant 384 : index
    %get3A_528 = vector.load %arg2[%get3A_524, %get3A_525, %get3A_526, %get3A_527] : memref<1x2x256x1025xf32, #tpu.memory_space<vmem>>, vector<1x1x256x128xf32>
    %get3A_529 = vector.shape_cast %get3A_528 : vector<1x1x256x128xf32> to vector<256x128xf32>
    %get3A_530 = arith.constant 18 : index
    %get3A_531 = arith.constant 0 : index
    %get3A_532 = arith.constant 0 : index
    %get3A_533 = arith.constant 0 : index
    %get3A_534 = vector.load %arg3[%get3A_530, %get3A_531, %get3A_532, %get3A_533] : memref<26x2x128x128xf32, #tpu.memory_space<vmem>>, vector<1x1x128x128xf32>
    %get3A_535 = vector.shape_cast %get3A_534 : vector<1x1x128x128xf32> to vector<128x128xf32>
    %dot_general3A_536 = arith.constant dense<0.000000e+00> : vector<256x128xf32>
    %dot_general3A_537 = tpu.matmul %get3A_529, %get3A_535, %dot_general3A_536 {dimension_numbers = #tpu.dot_dimension_numbers<[1], [0], [0], [1], [0, 0, 1, 1], [], []>, transpose_lhs_hint = false} : vector<256x128xf32>, vector<128x128xf32>, vector<256x128xf32> -> vector<256x128xf32>
    %get3A_538 = arith.constant 0 : index
    %get3A_539 = arith.constant 1 : index
    %get3A_540 = arith.constant 0 : index
    %get3A_541 = arith.constant 384 : index
    %get3A_542 = vector.load %arg2[%get3A_538, %get3A_539, %get3A_540, %get3A_541] : memref<1x2x256x1025xf32, #tpu.memory_space<vmem>>, vector<1x1x256x128xf32>
    %get3A_543 = vector.shape_cast %get3A_542 : vector<1x1x256x128xf32> to vector<256x128xf32>
    %get3A_544 = arith.constant 18 : index
    %get3A_545 = arith.constant 1 : index
    %get3A_546 = arith.constant 0 : index
    %get3A_547 = arith.constant 0 : index
    %get3A_548 = vector.load %arg3[%get3A_544, %get3A_545, %get3A_546, %get3A_547] : memref<26x2x128x128xf32, #tpu.memory_space<vmem>>, vector<1x1x128x128xf32>
    %get3A_549 = vector.shape_cast %get3A_548 : vector<1x1x128x128xf32> to vector<128x128xf32>
    %dot_general3A_550 = arith.constant dense<0.000000e+00> : vector<256x128xf32>
    %dot_general3A_551 = tpu.matmul %get3A_543, %get3A_549, %dot_general3A_550 {dimension_numbers = #tpu.dot_dimension_numbers<[1], [0], [0], [1], [0, 0, 1, 1], [], []>, transpose_lhs_hint = false} : vector<256x128xf32>, vector<128x128xf32>, vector<256x128xf32> -> vector<256x128xf32>
    %add3A_552 = arith.addf %dot_general3A_537, %dot_general3A_551 : vector<256x128xf32>
    %get3A_553 = arith.constant 0 : index
    %get3A_554 = arith.constant 0 : index
    %get3A_555 = arith.constant 0 : index
    %get3A_556 = arith.constant 512 : index
    %get3A_557 = vector.load %arg2[%get3A_553, %get3A_554, %get3A_555, %get3A_556] : memref<1x2x256x1025xf32, #tpu.memory_space<vmem>>, vector<1x1x256x128xf32>
    %get3A_558 = vector.shape_cast %get3A_557 : vector<1x1x256x128xf32> to vector<256x128xf32>
    %get3A_559 = arith.constant 19 : index
    %get3A_560 = arith.constant 0 : index
    %get3A_561 = arith.constant 0 : index
    %get3A_562 = arith.constant 0 : index
    %get3A_563 = vector.load %arg3[%get3A_559, %get3A_560, %get3A_561, %get3A_562] : memref<26x2x128x128xf32, #tpu.memory_space<vmem>>, vector<1x1x128x128xf32>
    %get3A_564 = vector.shape_cast %get3A_563 : vector<1x1x128x128xf32> to vector<128x128xf32>
    %dot_general3A_565 = arith.constant dense<0.000000e+00> : vector<256x128xf32>
    %dot_general3A_566 = tpu.matmul %get3A_558, %get3A_564, %dot_general3A_565 {dimension_numbers = #tpu.dot_dimension_numbers<[1], [0], [0], [1], [0, 0, 1, 1], [], []>, transpose_lhs_hint = false} : vector<256x128xf32>, vector<128x128xf32>, vector<256x128xf32> -> vector<256x128xf32>
    %add3A_567 = arith.addf %add3A_552, %dot_general3A_566 : vector<256x128xf32>
    %get3A_568 = arith.constant 0 : index
    %get3A_569 = arith.constant 1 : index
    %get3A_570 = arith.constant 0 : index
    %get3A_571 = arith.constant 512 : index
    %get3A_572 = vector.load %arg2[%get3A_568, %get3A_569, %get3A_570, %get3A_571] : memref<1x2x256x1025xf32, #tpu.memory_space<vmem>>, vector<1x1x256x128xf32>
    %get3A_573 = vector.shape_cast %get3A_572 : vector<1x1x256x128xf32> to vector<256x128xf32>
    %get3A_574 = arith.constant 19 : index
    %get3A_575 = arith.constant 1 : index
    %get3A_576 = arith.constant 0 : index
    %get3A_577 = arith.constant 0 : index
    %get3A_578 = vector.load %arg3[%get3A_574, %get3A_575, %get3A_576, %get3A_577] : memref<26x2x128x128xf32, #tpu.memory_space<vmem>>, vector<1x1x128x128xf32>
    %get3A_579 = vector.shape_cast %get3A_578 : vector<1x1x128x128xf32> to vector<128x128xf32>
    %dot_general3A_580 = arith.constant dense<0.000000e+00> : vector<256x128xf32>
    %dot_general3A_581 = tpu.matmul %get3A_573, %get3A_579, %dot_general3A_580 {dimension_numbers = #tpu.dot_dimension_numbers<[1], [0], [0], [1], [0, 0, 1, 1], [], []>, transpose_lhs_hint = false} : vector<256x128xf32>, vector<128x128xf32>, vector<256x128xf32> -> vector<256x128xf32>
    %add3A_582 = arith.addf %add3A_567, %dot_general3A_581 : vector<256x128xf32>
    %get3A_583 = arith.constant 0 : index
    %get3A_584 = arith.constant 0 : index
    %get3A_585 = arith.constant 0 : index
    %get3A_586 = arith.constant 640 : index
    %get3A_587 = vector.load %arg2[%get3A_583, %get3A_584, %get3A_585, %get3A_586] : memref<1x2x256x1025xf32, #tpu.memory_space<vmem>>, vector<1x1x256x128xf32>
    %get3A_588 = vector.shape_cast %get3A_587 : vector<1x1x256x128xf32> to vector<256x128xf32>
    %get3A_589 = arith.constant 20 : index
    %get3A_590 = arith.constant 0 : index
    %get3A_591 = arith.constant 0 : index
    %get3A_592 = arith.constant 0 : index
    %get3A_593 = vector.load %arg3[%get3A_589, %get3A_590, %get3A_591, %get3A_592] : memref<26x2x128x128xf32, #tpu.memory_space<vmem>>, vector<1x1x128x128xf32>
    %get3A_594 = vector.shape_cast %get3A_593 : vector<1x1x128x128xf32> to vector<128x128xf32>
    %dot_general3A_595 = arith.constant dense<0.000000e+00> : vector<256x128xf32>
    %dot_general3A_596 = tpu.matmul %get3A_588, %get3A_594, %dot_general3A_595 {dimension_numbers = #tpu.dot_dimension_numbers<[1], [0], [0], [1], [0, 0, 1, 1], [], []>, transpose_lhs_hint = false} : vector<256x128xf32>, vector<128x128xf32>, vector<256x128xf32> -> vector<256x128xf32>
    %add3A_597 = arith.addf %add3A_582, %dot_general3A_596 : vector<256x128xf32>
    %get3A_598 = arith.constant 0 : index
    %get3A_599 = arith.constant 1 : index
    %get3A_600 = arith.constant 0 : index
    %get3A_601 = arith.constant 640 : index
    %get3A_602 = vector.load %arg2[%get3A_598, %get3A_599, %get3A_600, %get3A_601] : memref<1x2x256x1025xf32, #tpu.memory_space<vmem>>, vector<1x1x256x128xf32>
    %get3A_603 = vector.shape_cast %get3A_602 : vector<1x1x256x128xf32> to vector<256x128xf32>
    %get3A_604 = arith.constant 20 : index
    %get3A_605 = arith.constant 1 : index
    %get3A_606 = arith.constant 0 : index
    %get3A_607 = arith.constant 0 : index
    %get3A_608 = vector.load %arg3[%get3A_604, %get3A_605, %get3A_606, %get3A_607] : memref<26x2x128x128xf32, #tpu.memory_space<vmem>>, vector<1x1x128x128xf32>
    %get3A_609 = vector.shape_cast %get3A_608 : vector<1x1x128x128xf32> to vector<128x128xf32>
    %dot_general3A_610 = arith.constant dense<0.000000e+00> : vector<256x128xf32>
    %dot_general3A_611 = tpu.matmul %get3A_603, %get3A_609, %dot_general3A_610 {dimension_numbers = #tpu.dot_dimension_numbers<[1], [0], [0], [1], [0, 0, 1, 1], [], []>, transpose_lhs_hint = false} : vector<256x128xf32>, vector<128x128xf32>, vector<256x128xf32> -> vector<256x128xf32>
    %add3A_612 = arith.addf %add3A_597, %dot_general3A_611 : vector<256x128xf32>
    %get3A_613 = arith.constant 0 : index
    %get3A_614 = arith.constant 0 : index
    %get3A_615 = arith.constant 0 : index
    %get3A_616 = arith.constant 512 : index
    %get3A_617 = vector.load %arg2[%get3A_613, %get3A_614, %get3A_615, %get3A_616] : memref<1x2x256x1025xf32, #tpu.memory_space<vmem>>, vector<1x1x256x128xf32>
    %get3A_618 = vector.shape_cast %get3A_617 : vector<1x1x256x128xf32> to vector<256x128xf32>
    %get3A_619 = arith.constant 21 : index
    %get3A_620 = arith.constant 0 : index
    %get3A_621 = arith.constant 0 : index
    %get3A_622 = arith.constant 0 : index
    %get3A_623 = vector.load %arg3[%get3A_619, %get3A_620, %get3A_621, %get3A_622] : memref<26x2x128x128xf32, #tpu.memory_space<vmem>>, vector<1x1x128x128xf32>
    %get3A_624 = vector.shape_cast %get3A_623 : vector<1x1x128x128xf32> to vector<128x128xf32>
    %dot_general3A_625 = arith.constant dense<0.000000e+00> : vector<256x128xf32>
    %dot_general3A_626 = tpu.matmul %get3A_618, %get3A_624, %dot_general3A_625 {dimension_numbers = #tpu.dot_dimension_numbers<[1], [0], [0], [1], [0, 0, 1, 1], [], []>, transpose_lhs_hint = false} : vector<256x128xf32>, vector<128x128xf32>, vector<256x128xf32> -> vector<256x128xf32>
    %get3A_627 = arith.constant 0 : index
    %get3A_628 = arith.constant 1 : index
    %get3A_629 = arith.constant 0 : index
    %get3A_630 = arith.constant 512 : index
    %get3A_631 = vector.load %arg2[%get3A_627, %get3A_628, %get3A_629, %get3A_630] : memref<1x2x256x1025xf32, #tpu.memory_space<vmem>>, vector<1x1x256x128xf32>
    %get3A_632 = vector.shape_cast %get3A_631 : vector<1x1x256x128xf32> to vector<256x128xf32>
    %get3A_633 = arith.constant 21 : index
    %get3A_634 = arith.constant 1 : index
    %get3A_635 = arith.constant 0 : index
    %get3A_636 = arith.constant 0 : index
    %get3A_637 = vector.load %arg3[%get3A_633, %get3A_634, %get3A_635, %get3A_636] : memref<26x2x128x128xf32, #tpu.memory_space<vmem>>, vector<1x1x128x128xf32>
    %get3A_638 = vector.shape_cast %get3A_637 : vector<1x1x128x128xf32> to vector<128x128xf32>
    %dot_general3A_639 = arith.constant dense<0.000000e+00> : vector<256x128xf32>
    %dot_general3A_640 = tpu.matmul %get3A_632, %get3A_638, %dot_general3A_639 {dimension_numbers = #tpu.dot_dimension_numbers<[1], [0], [0], [1], [0, 0, 1, 1], [], []>, transpose_lhs_hint = false} : vector<256x128xf32>, vector<128x128xf32>, vector<256x128xf32> -> vector<256x128xf32>
    %add3A_641 = arith.addf %dot_general3A_626, %dot_general3A_640 : vector<256x128xf32>
    %get3A_642 = arith.constant 0 : index
    %get3A_643 = arith.constant 0 : index
    %get3A_644 = arith.constant 0 : index
    %get3A_645 = arith.constant 640 : index
    %get3A_646 = vector.load %arg2[%get3A_642, %get3A_643, %get3A_644, %get3A_645] : memref<1x2x256x1025xf32, #tpu.memory_space<vmem>>, vector<1x1x256x128xf32>
    %get3A_647 = vector.shape_cast %get3A_646 : vector<1x1x256x128xf32> to vector<256x128xf32>
    %get3A_648 = arith.constant 22 : index
    %get3A_649 = arith.constant 0 : index
    %get3A_650 = arith.constant 0 : index
    %get3A_651 = arith.constant 0 : index
    %get3A_652 = vector.load %arg3[%get3A_648, %get3A_649, %get3A_650, %get3A_651] : memref<26x2x128x128xf32, #tpu.memory_space<vmem>>, vector<1x1x128x128xf32>
    %get3A_653 = vector.shape_cast %get3A_652 : vector<1x1x128x128xf32> to vector<128x128xf32>
    %dot_general3A_654 = arith.constant dense<0.000000e+00> : vector<256x128xf32>
    %dot_general3A_655 = tpu.matmul %get3A_647, %get3A_653, %dot_general3A_654 {dimension_numbers = #tpu.dot_dimension_numbers<[1], [0], [0], [1], [0, 0, 1, 1], [], []>, transpose_lhs_hint = false} : vector<256x128xf32>, vector<128x128xf32>, vector<256x128xf32> -> vector<256x128xf32>
    %add3A_656 = arith.addf %add3A_641, %dot_general3A_655 : vector<256x128xf32>
    %get3A_657 = arith.constant 0 : index
    %get3A_658 = arith.constant 1 : index
    %get3A_659 = arith.constant 0 : index
    %get3A_660 = arith.constant 640 : index
    %get3A_661 = vector.load %arg2[%get3A_657, %get3A_658, %get3A_659, %get3A_660] : memref<1x2x256x1025xf32, #tpu.memory_space<vmem>>, vector<1x1x256x128xf32>
    %get3A_662 = vector.shape_cast %get3A_661 : vector<1x1x256x128xf32> to vector<256x128xf32>
    %get3A_663 = arith.constant 22 : index
    %get3A_664 = arith.constant 1 : index
    %get3A_665 = arith.constant 0 : index
    %get3A_666 = arith.constant 0 : index
    %get3A_667 = vector.load %arg3[%get3A_663, %get3A_664, %get3A_665, %get3A_666] : memref<26x2x128x128xf32, #tpu.memory_space<vmem>>, vector<1x1x128x128xf32>
    %get3A_668 = vector.shape_cast %get3A_667 : vector<1x1x128x128xf32> to vector<128x128xf32>
    %dot_general3A_669 = arith.constant dense<0.000000e+00> : vector<256x128xf32>
    %dot_general3A_670 = tpu.matmul %get3A_662, %get3A_668, %dot_general3A_669 {dimension_numbers = #tpu.dot_dimension_numbers<[1], [0], [0], [1], [0, 0, 1, 1], [], []>, transpose_lhs_hint = false} : vector<256x128xf32>, vector<128x128xf32>, vector<256x128xf32> -> vector<256x128xf32>
    %add3A_671 = arith.addf %add3A_656, %dot_general3A_670 : vector<256x128xf32>
    %get3A_672 = arith.constant 0 : index
    %get3A_673 = arith.constant 0 : index
    %get3A_674 = arith.constant 0 : index
    %get3A_675 = arith.constant 768 : index
    %get3A_676 = vector.load %arg2[%get3A_672, %get3A_673, %get3A_674, %get3A_675] : memref<1x2x256x1025xf32, #tpu.memory_space<vmem>>, vector<1x1x256x128xf32>
    %get3A_677 = vector.shape_cast %get3A_676 : vector<1x1x256x128xf32> to vector<256x128xf32>
    %get3A_678 = arith.constant 23 : index
    %get3A_679 = arith.constant 0 : index
    %get3A_680 = arith.constant 0 : index
    %get3A_681 = arith.constant 0 : index
    %get3A_682 = vector.load %arg3[%get3A_678, %get3A_679, %get3A_680, %get3A_681] : memref<26x2x128x128xf32, #tpu.memory_space<vmem>>, vector<1x1x128x128xf32>
    %get3A_683 = vector.shape_cast %get3A_682 : vector<1x1x128x128xf32> to vector<128x128xf32>
    %dot_general3A_684 = arith.constant dense<0.000000e+00> : vector<256x128xf32>
    %dot_general3A_685 = tpu.matmul %get3A_677, %get3A_683, %dot_general3A_684 {dimension_numbers = #tpu.dot_dimension_numbers<[1], [0], [0], [1], [0, 0, 1, 1], [], []>, transpose_lhs_hint = false} : vector<256x128xf32>, vector<128x128xf32>, vector<256x128xf32> -> vector<256x128xf32>
    %add3A_686 = arith.addf %add3A_671, %dot_general3A_685 : vector<256x128xf32>
    %get3A_687 = arith.constant 0 : index
    %get3A_688 = arith.constant 1 : index
    %get3A_689 = arith.constant 0 : index
    %get3A_690 = arith.constant 768 : index
    %get3A_691 = vector.load %arg2[%get3A_687, %get3A_688, %get3A_689, %get3A_690] : memref<1x2x256x1025xf32, #tpu.memory_space<vmem>>, vector<1x1x256x128xf32>
    %get3A_692 = vector.shape_cast %get3A_691 : vector<1x1x256x128xf32> to vector<256x128xf32>
    %get3A_693 = arith.constant 23 : index
    %get3A_694 = arith.constant 1 : index
    %get3A_695 = arith.constant 0 : index
    %get3A_696 = arith.constant 0 : index
    %get3A_697 = vector.load %arg3[%get3A_693, %get3A_694, %get3A_695, %get3A_696] : memref<26x2x128x128xf32, #tpu.memory_space<vmem>>, vector<1x1x128x128xf32>
    %get3A_698 = vector.shape_cast %get3A_697 : vector<1x1x128x128xf32> to vector<128x128xf32>
    %dot_general3A_699 = arith.constant dense<0.000000e+00> : vector<256x128xf32>
    %dot_general3A_700 = tpu.matmul %get3A_692, %get3A_698, %dot_general3A_699 {dimension_numbers = #tpu.dot_dimension_numbers<[1], [0], [0], [1], [0, 0, 1, 1], [], []>, transpose_lhs_hint = false} : vector<256x128xf32>, vector<128x128xf32>, vector<256x128xf32> -> vector<256x128xf32>
    %add3A_701 = arith.addf %add3A_686, %dot_general3A_700 : vector<256x128xf32>
    %get3A_702 = arith.constant 0 : index
    %get3A_703 = arith.constant 0 : index
    %get3A_704 = arith.constant 0 : index
    %get3A_705 = arith.constant 768 : index
    %get3A_706 = vector.load %arg2[%get3A_702, %get3A_703, %get3A_704, %get3A_705] : memref<1x2x256x1025xf32, #tpu.memory_space<vmem>>, vector<1x1x256x128xf32>
    %get3A_707 = vector.shape_cast %get3A_706 : vector<1x1x256x128xf32> to vector<256x128xf32>
    %get3A_708 = arith.constant 24 : index
    %get3A_709 = arith.constant 0 : index
    %get3A_710 = arith.constant 0 : index
    %get3A_711 = arith.constant 0 : index
    %get3A_712 = vector.load %arg3[%get3A_708, %get3A_709, %get3A_710, %get3A_711] : memref<26x2x128x128xf32, #tpu.memory_space<vmem>>, vector<1x1x128x128xf32>
    %get3A_713 = vector.shape_cast %get3A_712 : vector<1x1x128x128xf32> to vector<128x128xf32>
    %dot_general3A_714 = arith.constant dense<0.000000e+00> : vector<256x128xf32>
    %dot_general3A_715 = tpu.matmul %get3A_707, %get3A_713, %dot_general3A_714 {dimension_numbers = #tpu.dot_dimension_numbers<[1], [0], [0], [1], [0, 0, 1, 1], [], []>, transpose_lhs_hint = false} : vector<256x128xf32>, vector<128x128xf32>, vector<256x128xf32> -> vector<256x128xf32>
    %get3A_716 = arith.constant 0 : index
    %get3A_717 = arith.constant 1 : index
    %get3A_718 = arith.constant 0 : index
    %get3A_719 = arith.constant 768 : index
    %get3A_720 = vector.load %arg2[%get3A_716, %get3A_717, %get3A_718, %get3A_719] : memref<1x2x256x1025xf32, #tpu.memory_space<vmem>>, vector<1x1x256x128xf32>
    %get3A_721 = vector.shape_cast %get3A_720 : vector<1x1x256x128xf32> to vector<256x128xf32>
    %get3A_722 = arith.constant 24 : index
    %get3A_723 = arith.constant 1 : index
    %get3A_724 = arith.constant 0 : index
    %get3A_725 = arith.constant 0 : index
    %get3A_726 = vector.load %arg3[%get3A_722, %get3A_723, %get3A_724, %get3A_725] : memref<26x2x128x128xf32, #tpu.memory_space<vmem>>, vector<1x1x128x128xf32>
    %get3A_727 = vector.shape_cast %get3A_726 : vector<1x1x128x128xf32> to vector<128x128xf32>
    %dot_general3A_728 = arith.constant dense<0.000000e+00> : vector<256x128xf32>
    %dot_general3A_729 = tpu.matmul %get3A_721, %get3A_727, %dot_general3A_728 {dimension_numbers = #tpu.dot_dimension_numbers<[1], [0], [0], [1], [0, 0, 1, 1], [], []>, transpose_lhs_hint = false} : vector<256x128xf32>, vector<128x128xf32>, vector<256x128xf32> -> vector<256x128xf32>
    %add3A_730 = arith.addf %dot_general3A_715, %dot_general3A_729 : vector<256x128xf32>
    %get3A_731 = arith.constant 0 : index
    %get3A_732 = arith.constant 0 : index
    %get3A_733 = arith.constant 0 : index
    %get3A_734 = arith.constant 896 : index
    %get3A_735 = vector.load %arg2[%get3A_731, %get3A_732, %get3A_733, %get3A_734] : memref<1x2x256x1025xf32, #tpu.memory_space<vmem>>, vector<1x1x256x128xf32>
    %get3A_736 = vector.shape_cast %get3A_735 : vector<1x1x256x128xf32> to vector<256x128xf32>
    %get3A_737 = arith.constant 25 : index
    %get3A_738 = arith.constant 0 : index
    %get3A_739 = arith.constant 0 : index
    %get3A_740 = arith.constant 0 : index
    %get3A_741 = vector.load %arg3[%get3A_737, %get3A_738, %get3A_739, %get3A_740] : memref<26x2x128x128xf32, #tpu.memory_space<vmem>>, vector<1x1x128x128xf32>
    %get3A_742 = vector.shape_cast %get3A_741 : vector<1x1x128x128xf32> to vector<128x128xf32>
    %dot_general3A_743 = arith.constant dense<0.000000e+00> : vector<256x128xf32>
    %dot_general3A_744 = tpu.matmul %get3A_736, %get3A_742, %dot_general3A_743 {dimension_numbers = #tpu.dot_dimension_numbers<[1], [0], [0], [1], [0, 0, 1, 1], [], []>, transpose_lhs_hint = false} : vector<256x128xf32>, vector<128x128xf32>, vector<256x128xf32> -> vector<256x128xf32>
    %add3A_745 = arith.addf %add3A_730, %dot_general3A_744 : vector<256x128xf32>
    %get3A_746 = arith.constant 0 : index
    %get3A_747 = arith.constant 1 : index
    %get3A_748 = arith.constant 0 : index
    %get3A_749 = arith.constant 896 : index
    %get3A_750 = vector.load %arg2[%get3A_746, %get3A_747, %get3A_748, %get3A_749] : memref<1x2x256x1025xf32, #tpu.memory_space<vmem>>, vector<1x1x256x128xf32>
    %get3A_751 = vector.shape_cast %get3A_750 : vector<1x1x256x128xf32> to vector<256x128xf32>
    %get3A_752 = arith.constant 25 : index
    %get3A_753 = arith.constant 1 : index
    %get3A_754 = arith.constant 0 : index
    %get3A_755 = arith.constant 0 : index
    %get3A_756 = vector.load %arg3[%get3A_752, %get3A_753, %get3A_754, %get3A_755] : memref<26x2x128x128xf32, #tpu.memory_space<vmem>>, vector<1x1x128x128xf32>
    %get3A_757 = vector.shape_cast %get3A_756 : vector<1x1x128x128xf32> to vector<128x128xf32>
    %dot_general3A_758 = arith.constant dense<0.000000e+00> : vector<256x128xf32>
    %dot_general3A_759 = tpu.matmul %get3A_751, %get3A_757, %dot_general3A_758 {dimension_numbers = #tpu.dot_dimension_numbers<[1], [0], [0], [1], [0, 0, 1, 1], [], []>, transpose_lhs_hint = false} : vector<256x128xf32>, vector<128x128xf32>, vector<256x128xf32> -> vector<256x128xf32>
    %add3A_760 = arith.addf %add3A_745, %dot_general3A_759 : vector<256x128xf32>
    %get3A_761 = arith.constant 0 : index
    %get3A_762 = arith.constant 0 : index
    %get3A_763 = arith.constant 0 : index
    %get3A_764 = arith.constant 1024 : index
    %get3A_765 = vector.load %arg2[%get3A_761, %get3A_762, %get3A_763, %get3A_764] : memref<1x2x256x1025xf32, #tpu.memory_space<vmem>>, vector<1x1x256x1xf32>
    %get3A_766 = vector.shape_cast %get3A_765 : vector<1x1x256x1xf32> to vector<256x1xf32>
    %get3A_767 = arith.constant 0 : index
    %get3A_768 = arith.constant 1 : index
    %get3A_769 = arith.constant 0 : index
    %get3A_770 = arith.constant 1024 : index
    %get3A_771 = vector.load %arg2[%get3A_767, %get3A_768, %get3A_769, %get3A_770] : memref<1x2x256x1025xf32, #tpu.memory_space<vmem>>, vector<1x1x256x1xf32>
    %get3A_772 = vector.shape_cast %get3A_771 : vector<1x1x256x1xf32> to vector<256x1xf32>
    %get3A_773 = arith.constant 0 : index
    %get3A_774 = arith.constant 0 : index
    %get3A_775 = arith.constant 0 : index
    %get3A_776 = vector.load %arg4[%get3A_773, %get3A_774, %get3A_775] : memref<2x1x128xf32, #tpu.memory_space<vmem>>, vector<1x1x128xf32>
    %get3A_777 = vector.shape_cast %get3A_776 : vector<1x1x128xf32> to vector<1x128xf32>
    %mul3A = vector.broadcast %get3A_766 : vector<256x1xf32> to vector<256x128xf32>
    %mul3A_778 = vector.broadcast %get3A_777 : vector<1x128xf32> to vector<256x128xf32>
    %mul3A_779 = arith.mulf %mul3A, %mul3A_778 : vector<256x128xf32>
    %add3A_780 = arith.addf %add3A_760, %mul3A_779 : vector<256x128xf32>
    %get3A_781 = arith.constant 1 : index
    %get3A_782 = arith.constant 0 : index
    %get3A_783 = arith.constant 0 : index
    %get3A_784 = vector.load %arg4[%get3A_781, %get3A_782, %get3A_783] : memref<2x1x128xf32, #tpu.memory_space<vmem>>, vector<1x1x128xf32>
    %get3A_785 = vector.shape_cast %get3A_784 : vector<1x1x128xf32> to vector<1x128xf32>
    %mul3A_786 = vector.broadcast %get3A_772 : vector<256x1xf32> to vector<256x128xf32>
    %mul3A_787 = vector.broadcast %get3A_785 : vector<1x128xf32> to vector<256x128xf32>
    %mul3A_788 = arith.mulf %mul3A_786, %mul3A_787 : vector<256x128xf32>
    %add3A_789 = arith.addf %add3A_780, %mul3A_788 : vector<256x128xf32>
    %concatenate3A = tpu.concatenate %add3A, %add3A_54, %add3A_83, %add3A_112, %add3A_141, %add3A_170, %add3A_199, %add3A_258, %add3A_287, %add3A_346, %add3A_405, %add3A_464, %add3A_523, %add3A_612, %add3A_701, %add3A_789 in 1 : vector<256x128xf32>, vector<256x128xf32>, vector<256x128xf32>, vector<256x128xf32>, vector<256x128xf32>, vector<256x128xf32>, vector<256x128xf32>, vector<256x128xf32>, vector<256x128xf32>, vector<256x128xf32>, vector<256x128xf32>, vector<256x128xf32>, vector<256x128xf32>, vector<256x128xf32>, vector<256x128xf32>, vector<256x128xf32> -> vector<256x2048xf32>
    %get3A_790 = arith.constant 0 : index
    %get3A_791 = arith.constant 0 : index
    %get3A_792 = vector.load %arg5[%get3A_790, %get3A_791] : memref<1x2048xf32, #tpu.memory_space<vmem>>, vector<1x2048xf32>
    %add3A_793 = vector.broadcast %get3A_792 : vector<1x2048xf32> to vector<256x2048xf32>
    %add3A_794 = arith.addf %concatenate3A, %add3A_793 : vector<256x2048xf32>
    %reshape3A = vector.shape_cast %add3A_794 : vector<256x2048xf32> to vector<256x64x32xf32>
    %transpose3A = tpu.transpose %reshape3A, [2, 0, 1] : vector<256x64x32xf32> -> vector<32x256x64xf32>
    %swap3A = arith.constant 0 : index
    %swap3A_795 = arith.constant 0 : index
    %swap3A_796 = arith.constant 0 : index
    %swap3A_797 = arith.constant 0 : index
    %swap3A_798 = vector.load %arg6[%swap3A, %swap3A_795, %swap3A_796, %swap3A_797] : memref<1x32x256x64xf32, #tpu.memory_space<vmem>>, vector<1x32x256x64xf32>
    %swap3A_799 = vector.shape_cast %swap3A_798 : vector<1x32x256x64xf32> to vector<32x256x64xf32>
    %swap3A_800 = vector.shape_cast %transpose3A : vector<32x256x64xf32> to vector<1x32x256x64xf32>
    tpu.vector_store %arg6[%swap3A, %swap3A_795, %swap3A_796, %swap3A_797], %swap3A_800 {strides = array<i32>} : memref<1x32x256x64xf32, #tpu.memory_space<vmem>>, vector<1x32x256x64xf32>,
    return
  }
  func.func @transform_0(%arg0: i32, %arg1: i32) -> (i32, i32, i32, i32) {
    %c0_i32 = arith.constant 0 : i32
    %c0_i32_0 = arith.constant 0 : i32
    %c0_i32_1 = arith.constant 0 : i32
    return %arg0, %c0_i32, %arg1, %c0_i32_0 : i32, i32, i32, i32
  }
  func.func @transform_1(%arg0: i32, %arg1: i32) -> (i32, i32, i32, i32) {
    %c0_i32 = arith.constant 0 : i32
    %c0_i32_0 = arith.constant 0 : i32
    %c0_i32_1 = arith.constant 0 : i32
    %c0_i32_2 = arith.constant 0 : i32
    %c0_i32_3 = arith.constant 0 : i32
    return %c0_i32, %c0_i32_0, %c0_i32_1, %c0_i32_2 : i32, i32, i32, i32
  }
  func.func @transform_2(%arg0: i32, %arg1: i32) -> (i32, i32, i32) {
    %c0_i32 = arith.constant 0 : i32
    %c0_i32_0 = arith.constant 0 : i32
    %c0_i32_1 = arith.constant 0 : i32
    %c0_i32_2 = arith.constant 0 : i32
    return %c0_i32, %c0_i32_0, %c0_i32_1 : i32, i32, i32
  }
  func.func @transform_3(%arg0: i32, %arg1: i32) -> (i32, i32) {
    %c0_i32 = arith.constant 0 : i32
    %c0_i32_0 = arith.constant 0 : i32
    %c0_i32_1 = arith.constant 0 : i32
    return %c0_i32, %c0_i32_0 : i32, i32
  }
  func.func @transform_4(%arg0: i32, %arg1: i32) -> (i32, i32, i32, i32) {
    %c0_i32 = arith.constant 0 : i32
    %c0_i32_0 = arith.constant 0 : i32
    %c0_i32_1 = arith.constant 0 : i32
    return %arg0, %c0_i32, %arg1, %c0_i32_0 : i32, i32, i32, i32
  }
}

</mosaic_0001>

<sc_bundles>
// kernel: gather_offload_async_start.1
scs
__scs_entry_jumppad:
0x0: {  	(pc) =	sbr.rel $0x88, $3  }
0x1: {  	(tag) =	ssettag $0x0;
	lr =	simm.s32 $0x1  }
0x2: {  	[smem:$0x3F9C] =	sst lr;
	_ =	strace $0xD0000000  }
0x3: {  	_ = 	snop  }
0x4: {  	_ = 	snop  }
0x5: {  	_ = 	snop  }
0x6: {  	_ = 	snop  }
0x7: {  	_ = 	snop  }
__scs_overlays_trampoline_lowered:
0x8: {  	[smem:$0x3FAB] =	sst s0  }
0x9: {  	[smem:$0x3FAC] =	sst s1  }
0xa: {  	[smem:$0x3FAD] =	sst s2  }
0xb: {  	[smem:$0x3FAE] =	sst s3  }
0xc: {  	[smem:$0x3FAF] =	sst s4  }
0xd: {  	[smem:$0x3FB0] =	sst s5  }
0xe: {  	[smem:$0x3FB1] =	sst s6  }
0xf: {  	[smem:$0x3FB2] =	sst s7  }
0x10: {  	[smem:$0x3FB3] =	sst s8  }
0x11: {  	[smem:$0x3FB4] =	sst s9;
	s0 =	simm.s32 @!p0 $0x0  }
0x12: {  	s1 =	sld [smem:$0x3F9A];
	s0 =	simm.s32 @p0 $0x1  }
0x13: {  	[smem:$0x3FB5] =	sst s0;
	s0 =	simm.s32 @!p1 $0x0  }
0x14: {  	s2 =	sld [smem:$0x3F99];
	s0 =	simm.s32 @p1 $0x1  }
0x15: {  	[smem:$0x3FB6] =	sst s0;
	s0 =	simm.s32 @!p2 $0x0  }
0x16: {  	s3 =	sld [smem:$0x3FDB];
	s0 =	simm.s32 @p2 $0x1  }
0x17: {  	s4 =	simm.s32 $0x1BF5;
	[smem:$0x3FB8] =	sst s0  }
0x18: {  	s0 =	sld [smem:$0x3F9B];
	_ =	swait.ge [sflag:s4], $0x0  }
0x19: {  	s7 =	sld [smem:$0x3F9C]  }
0x1a: {  	s8 =	sadd.s32 $0xFFFFE003, lr  }
0x1b: {  	s9 =	sadd.s32 $0xFFFFFEF7, lr;
	s5 =	simm.s32 $0xFFFFFFFF;
	p2 =	slt.u32 s8, $0xFFFFF086  }
0x1c: {  	p1 =	slt.u32 s9, $0xF7A;
	s5 =	simm.s32 @!p2 $0x0  }
0x1d: {  	s5 =	simm.s32 @p1 $0x1;
	p0 =	seq.s32 s7, s2  }
0x1e: {  	s7 =	smul.u32 @!p0 $0xF7A, s2;
	p2 =	seq.s32 @!p0 s5, $0x0  }
0x1f: {  	s9 =	smul.u32 $0xF7A, s1;
	s8 =	simm.s32 @!p0 $0x1BF5;
	p2 =	por !p2, p0  }
0x20: {  	[sflag:s8] =	ssyncset.s32 @!p0 $0xFFFFF086;
	s6 =	sadd.s32 @!p0 s3, s7;
	s7 =	simm.s32 @!p0 $0x108  }
0x21: {  	s3 =	sadd.s32 s3, s9;
	s6 =	sadd.s32 @!p0 $0x88, s6;
	s7 =	simm.s32 @p2 $0x1082  }
0x22: {  	[simem:s7], [sflag:s8] =	dma.local @!p0 [hbm:s6], $0xF7A  }
0x23: {  	s9 =	sor.u32 $0xD0000000, s2;
	s6 =	simm.s32 $0x108;
	_ =	swait.ge @!p0 [sflag:s8], $0x0  }
0x24: {  	s3 =	sadd.s32 $0x88, s3;
	s6 =	simm.s32 @!p1 $0x1082;
	[sflag:s4] =	ssyncset.s32 $0xFFFFF086  }
0x25: {  	[simem:s6], [sflag:s4] =	dma.local [hbm:s3], $0xF7A  }
0x26: {  	[smem:$0x3F9C] =	sst s1;
	(tag) =	ssettag s2;
	_ =	strace s9  }
0x27: {  	s1 =	sld [smem:$0x3FAC]  }
0x28: {  	s2 =	sld [smem:$0x3FAD]  }
0x29: {  	s4 =	sld [smem:$0x3FAF]  }
0x2a: {  	p0 =	seq.s32 s5, $0x0;
	s5 =	sld [smem:$0x3FB0]  }
0x2b: {  	s6 =	sld [smem:$0x3FB1]  }
0x2c: {  	s7 =	sld [smem:$0x3FB2]  }
0x2d: {  	s3 =	simm.s32 $0x108;
	s8 =	sld [smem:$0x3FB3]  }
0x2e: {  	s3 =	simm.s32 @!p0 $0x1082;
	s9 =	sld [smem:$0x3FB4]  }
0x2f: {  	lr =	sadd.s32 s0, s3;
	s0 =	sld [smem:$0x3FAB]  }
0x30: {  	s3 =	sld [smem:$0x3FAE]  }
0x31: {  	[smem:$0x3FB7] =	sst s10  }
0x32: {  	s10 =	sld [smem:$0x3FB5];
	_ =	sdelay $0x3  }
0x33: {  	p0 =	seq.s32 s10, $0x1;
	s10 =	sld [smem:$0x3FB7];
	_ =	sdelay $0x3  }
0x34: {  	[smem:$0x3FB7] =	sst s10  }
0x35: {  	s10 =	sld [smem:$0x3FB6];
	_ =	sdelay $0x3  }
0x36: {  	p1 =	seq.s32 s10, $0x1;
	s10 =	sld [smem:$0x3FB7];
	_ =	sdelay $0x3  }
0x37: {  	[smem:$0x3FB7] =	sst s10  }
0x38: {  	s10 =	sld [smem:$0x3FB8]  }
0x39: {  	_ = 	snop;
	(pc) =	sbr.ind lr, $3  }
0x3a: {  	_ = 	snop  }
0x3b: {  	_ = 	snop  }
0x3c: {  	p2 =	seq.s32 s10, $0x1;
	s10 =	sld [smem:$0x3FB7]  }
0x3d: {  	_ =	shalt  }
0x3e: {  	_ =	shalt  }
0x3f: {  	_ =	shalt  }
0x40: {  	_ =	shalt  }
0x41: {  	_ =	shalt  }
0x42: {  	_ =	shalt  }
0x43: {  	_ =	shalt  }
0x44: {  	_ =	shalt  }
0x45: {  	_ =	shalt  }
0x46: {  	_ =	shalt  }
0x47: {  	_ =	shalt  }
0x48: {  	_ =	shalt  }
0x49: {  	_ =	shalt  }
0x4a: {  	_ =	shalt  }
0x4b: {  	_ =	shalt  }
0x4c: {  	_ =	shalt  }
0x4d: {  	_ =	shalt  }
0x4e: {  	_ =	shalt  }
0x4f: {  	_ =	shalt  }
0x50: {  	_ =	shalt  }
0x51: {  	_ =	shalt  }
0x52: {  	_ =	shalt  }
0x53: {  	_ =	shalt  }
0x54: {  	_ =	shalt  }
0x55: {  	_ =	shalt  }
0x56: {  	_ =	shalt  }
0x57: {  	_ =	shalt  }
0x58: {  	_ =	shalt  }
0x59: {  	_ =	shalt  }
0x5a: {  	_ =	shalt  }
0x5b: {  	_ =	shalt  }
0x5c: {  	_ =	shalt  }
0x5d: {  	_ =	shalt  }
0x5e: {  	_ =	shalt  }
0x5f: {  	_ =	shalt  }
0x60: {  	_ =	shalt  }
0x61: {  	_ =	shalt  }
0x62: {  	_ =	shalt  }
0x63: {  	_ =	shalt  }
0x64: {  	_ =	shalt  }
0x65: {  	_ =	shalt  }
0x66: {  	_ =	shalt  }
0x67: {  	_ =	shalt  }
0x68: {  	_ =	shalt  }
0x69: {  	_ =	shalt  }
0x6a: {  	_ =	shalt  }
0x6b: {  	_ =	shalt  }
0x6c: {  	_ =	shalt  }
0x6d: {  	_ =	shalt  }
0x6e: {  	_ =	shalt  }
0x6f: {  	_ =	shalt  }
0x70: {  	_ =	shalt  }
0x71: {  	_ =	shalt  }
0x72: {  	_ =	shalt  }
0x73: {  	_ =	shalt  }
0x74: {  	_ =	shalt  }
0x75: {  	_ =	shalt  }
0x76: {  	_ =	shalt  }
0x77: {  	_ =	shalt  }
0x78: {  	_ =	shalt  }
0x79: {  	_ =	shalt  }
0x7a: {  	_ =	shalt  }
0x7b: {  	_ =	shalt  }
0x7c: {  	_ =	shalt  }
0x7d: {  	_ =	shalt  }
0x7e: {  	_ =	shalt  }
0x7f: {  	_ =	shalt  }
0x80: {  	_ =	shalt  }
0x81: {  	_ =	shalt  }
0x82: {  	_ =	shalt  }
0x83: {  	_ =	shalt  }
0x84: {  	_ =	shalt  }
0x85: {  	_ =	shalt  }
0x86: {  	_ =	shalt  }
0x87: {  	_ =	shalt  }
.Lfunc_end0:
.L_simem_size_0:
called_computation.1_lowered:
.L_overlay_start_0:
0x88: {  	s2 =	sld [smem:$0x3FD9]  }
0x89: {  	s3 =	sld [smem:$0x3FFE];
	_ =	sdelay $0x1  }
0x8a: {  	s1 =	srdreg.scid  }
0x8b: {  	s0 =	sand.u32 $0x1, s1  }
0x8c: {  	s17 =	sshll.u32 s0, $0xA;
	s2 =	sadd.s32 s3, s2  }
0x8d: {  	s2 =	sadd.s32 s2, s17  }
0x8e: {  	[smem:$0x3FC3] =	sst s2  }
0x8f: {  	_ = 	snop  }
0x90: {  	s18 =	sld [smem:$0x3FD0];
	(tm) =	ssettm $0x1  }
0x91: {  	s19 =	sld [smem:$0x3FFB];
	_ =	sdelay $0x3  }
0x92: {  	_ =	strace s19  }
0x93: {  	s2 =	sld [smem:$0x3FFC];
	_ =	sdelay $0x3  }
0x94: {  	_ =	strace s2  }
0x95: {  	s2 =	sld [smem:$0x3FFD];
	_ =	sdelay $0x3  }
0x96: {  	_ =	strace s2  }
0x97: {  	_ =	strace $0x8FFFFFFF  }
0x98: {  	s20 =	sld [smem:$0x3FDB];
	_ =	sdelay $0x1  }
0x99: {  	s4 =	simm.s32 $_scs_section_size  }
0x9a: {  	s5 =	simm.s32 $_size__tile_overlayer_lowered;
	s6 =	simm.s32 $_tile_overlayer_lowered  }
0x9b: {  	s7 =	simm.s32 $0x1BFF;
	s21 =	sshll.u32 s6, $0x1;
	s4 =	sadd.s32 s4, s20  }
0x9c: {  	s22 =	simm.s32 $0x0;
	s5 =	sshll.u32 s5, $0x1;
	s6 =	sadd.s32 s21, s4  }
0x9d: {  	[timem:s22], [sflag:s7] =	dma.local [hbm:s6], s5  }
0x9e: {  	_ =	swait.ge [sflag:s7], s5  }
0x9f: {  	s5 =	ssub.s32 $0x0, s5;
	[sflag:s7] =	ssyncset.done $0x0  }
0xa0: {  	[sflag:s7] =	ssyncadd.s32 s5;
	_ =	sdelay $0x1  }
0xa1: {  	s23 =	simm.s32 $0x1B8B  }
0xa2: {  	_ =	swait.ge [sflag:s23], $0x1  }
0xa3: {  	[sflag:s23] =	ssyncset.done $0x0  }
0xa4: {  	[sflag:s23] =	ssyncadd.s32 $0xFFFFFFFF  }
0xa5: {  	s5 =	sld [smem:$0x0]  }
0xa6: {  	s6 =	sand.u32 $0xFFFFFFFE, s1  }
0xa7: {  	p0 =	sne.s32 s1, s6  }
0xa8: {  	s6 =	sshll.u32 @p0 s6, $0xE  }
0xa9: {  	s6 =	sadd.s32 @p0 $0x11B8D, s6;
	s7 =	sshll.u32 @p0 s5, $0x11  }
0xaa: {  	s6 =	sor.u32 @p0 s7, s6  }
0xab: {  	[sflag:s6] =	ssyncadd.remote.s32 @p0 $0x1;
	_ =	sdelay $0x1  }
0xac: {  	s6 =	simm.s32 @p0 $0x1B8D  }
0xad: {  	_ =	swait.eq @p0 [sflag:s6], $0x1  }
0xae: {  	[sflag:s6] =	ssyncadd.s32 @p0 $0xFFFFFFFF  }
0xaf: {  	s7 =	sshll.u32 @!p0 s1, $0xE  }
0xb0: {  	s7 =	sor.u32 @!p0 $0x4000, s7;
	s6 =	simm.s32 @!p0 $0x1B8D  }
0xb1: {  	s5 =	sshll.u32 @!p0 s5, $0x11;
	s7 =	sadd.s32 @!p0 $0x11B8D, s7;
	_ =	swait.eq @!p0 [sflag:s6], $0x1  }
0xb2: {  	s5 =	sor.u32 @!p0 s5, s7;
	[sflag:s6] =	ssyncadd.s32 @!p0 $0xFFFFFFFF  }
0xb3: {  	s25 =	simm.s32 $0x1B8E;
	s24 =	sld [smem:$0x3FFE];
	[sflag:s5] =	ssyncadd.remote.s32 @!p0 $0x1  }
0xb4: {  	s26 =	simm.s32 $execute0_lowered;
	[smem:$0x3FD2] =	sst s25  }
0xb5: {  	s6 =	sshll.u32 s26, $0x1;
	_ =	strace $0x8000004C;
	[dreg:$0x1] =	wrdreg $0xFFFFFFFF  }
0xb6: {  	s28 =	simm.s32 $_size_execute0_lowered;
	s4 =	sadd.s32 s4, s6;
	[dreg:$0x0] =	wrdreg $0x0  }
0xb7: {  	s6 =	sshll.u32 s28, $0x1;
	[dreg:$0x2] =	wrdreg s4  }
0xb8: {  	[dreg:$0x3] =	wrdreg s6  }
0xb9: {  	[dreg:$0x4] =	wrdreg $0xC0  }
0xba: {  	_ =	task [dreg:s22], $0x5FFFF  }
0xbb: {  	[dreg:$0x1] =	wrdreg $0xFFFFFFFF  }
0xbc: {  	[dreg:$0x0] =	wrdreg $0x60  }
0xbd: {  	[dreg:$0x2] =	wrdreg s18  }
0xbe: {  	[dreg:$0x3] =	wrdreg s24  }
0xbf: {  	[dreg:$0x4] =	wrdreg $0xA  }
0xc0: {  	_ =	task.clear_ibuf [dreg:s22], $0x5FFFF;
	_ =	strace $0x9000004C  }
0xc1: {  	s29 =	simm.s32 $0xA;
	_ =	strace $0x8000004E  }
0xc2: {  	_ =	swait.ge [sflag:s29], $0x1  }
0xc3: {  	[sflag:s29] =	ssyncadd.s32 $0xFFFFFFFF  }
0xc4: {  	_ =	strace $0x9000004E  }
0xc5: {  	_ =	sfence  }
0xc6: {  	s30 =	sld [smem:$0x0];
	_ =	sdelay $0x2  }
0xc7: {  	s31 =	sshll.u32 s1, $0xD;
	s1 =	sshrl.u32 s1, $0x2  }
0xc8: {  	s4 =	sand.u32 $0x4000, s31;
	s1 =	sadd.s32 s1, s30  }
0xc9: {  	s0 =	sor.u32 s4, s0;
	s1 =	sshll.u32 s1, $0x11  }
0xca: {  	s0 =	sor.u32 s1, s0  }
0xcb: {  	s0 =	sadd.s32 $0x8F2B, s0  }
0xcc: {  	[sflag:s0] =	ssyncadd.remote.s32 $0x1  }
0xcd: {  	_ =	sfence.sel $0xFFFF  }
0xce: {  	[dreg:$0x0] =	wrdreg $0xFFFFFFFF;
	(pc) =	sbr.abs _section_cstart, $3  }
0xcf: {  	[dreg:$0x1] =	wrdreg $0xFFFFFFFF  }
0xd0: {  	_ =	task.clear_ibuf [dreg:s22], $0x2FFFF;
	_ =	strace $0x9FFFFFFF  }
0xd1: {  	(tm) =	ssettm $0x7FFFFFFF  }
tec
execute0_lowered:
.L_overlay_start_1:
0x0: {  	(tag) =	ssettag $0x1  }
0x1: {  	s2 =	rddreg [dreg:$0x0]  }
0x2: {  	s0 =	srdreg.scid;
	s7 =	rddreg [dreg:$0x1]  }
0x3: {  	s1 =	stileid.u32;
	s5 =	simm.s32 $0x2;
	s9 =	simm.s32 $0x3  }
0x4: {  	s3 =	sshll.u32 s0, $0x4;
	s0 =	rddreg [dreg:$0x2];
	_ =	strace $0x8000004D  }
.Ltmp0:
0x5: {  	s4 =	sand.u32 $0x10, s3;
	s3 =	simm.s32 $0x1;
	(pc) =	sbr.rel .LBB2_1-.Ltmp0, $4  }
0x6: {  	s12 =	simm.s32 $0x0;
	s4 =	sor.u32 s1, s4;
	[sflag:s3] =	ssyncpa.u1 $0x0  }
0x7: {  	s10 =	simm.s32 $0x0;
	s4 =	smul.u32 $0x1A0, s4;
	[sflag:s5] =	ssyncpa.u1 $0x0  }
0x8: {  	s6 =	sadd.s32 $0x37400, s7;
	s7 =	sadd.s32 $0x37C00, s7;
	[sflag:s9] =	ssyncpa.u1 $0x0  }
0x9: {  	vm0 =	vmmov $0xff;
	vm1 =	vcmask $0x3F20;
	s9 =	simm.s32 $0x1A0;
	s8 =	sadd.s32 $0x1A0, s4;
	s11 =	smov.u32 s4  }
.LBB2_10:
0xa: {  	s12 =	sshrl.u32 s11, $0x3  }
0xb: {  	s13 =	sand.u32 $0x7, s11;
	s12 =	sadd.s32 s6, s12  }
0xc: {  	[tilespmem:s9], [sflag:$0x2] =	stream.linear.gather [hbm4b:s12+s13], $0x1A0, $0x38;
	[tilespmem:$0x1A340] =	vst v63  }
.LBB2_8:
0xd: {  	s12 =	sadd.s32 $0x1A0, s11  }
0xe: {  	s13 =	smov.u32 s4;
	p0 =	slt.s32 s12, s8  }
0xf: {  	s13 =	smov.u32 @p0 s12  }
0x10: {  	s10 =	sadd.s32 $0x1, s10;
	s12 =	smov.u32 s11;
	s11 =	smov.u32 s13  }
.LBB2_1:
0x11: {  	p0 =	seq.s32 s10, $0x0  }
.Ltmp1:
0x12: {  	_ = 	snop;
	(pc) =	sbr.rel @p0 .LBB2_10-.Ltmp1, $1  }
0x13: {  	_ =	sdelay $0x3  }
0x14: {  	p0 =	seq.s32 s10, $0x1  }
.Ltmp2:
0x15: {  	_ = 	snop;
	(pc) =	sbr.rel @!p0 .LBB2_9-.Ltmp2, $1  }
0x16: {  	_ =	sdelay $0x3  }
0x17: {  	_ =	swait.ge [sflag:s5], $0x1A0  }
0x18: {  	[sflag:s5] =	ssyncset.done $0x0  }
0x19: {  	s13 =	simm.s32 $0x0;
	[sflag:s5] =	ssyncadd.s32 $0xFFFFFE60  }
0x1a: {  	v0 =	vld.msk [tilespmem:s13+$0x1A0 ss:$0x1], $0xffff;
	_ =	sdelay $0x4  }
0x1b: {  	v1 =	vshll.u32 v0, $0x7  }
0x1c: {  	vm2 =	veq.s32 v0, $0x80000000;
	v0 =	vand.u32 $0x1F80, v1  }
0x1d: {  	v1 =	vand.u32 $0x1FE000, v1;
	v0 =	vsel vm2, $0xFFFFFF80, v0  }
0x1e: {  	v1 =	vsel vm2, $0xFFFFE000, v1;
	v2 =	vand.u32 $0xFFFFFC00, v0  }
0x1f: {  	v0 =	vand.u32 $0x380, v0;
	v1 =	vadd.s32 v1, v2  }
0x20: {  	v0 =	vor.u32 v0, v1  }
0x21: {  	v0 =	vshrl.u32 v0, $0x3;
	_ =	sdelay $0x3  }
0x22: {  	s13 =	simm.s32 $0xD340  }
0x23: {  	[tilespmem:s13], [sflag:$0x1] =	stream.indirect_vreg.gather [hbm:s2], $0x80, v0, vm0, $0x38;
	[tilespmem:$0x1A340] =	vst v63  }
0x24: {  	s14 =	simm.s32 $0xD740;
	s31 =	simm.s32 $0x10  }
0x25: {  	[tilespmem:s14], [sflag:$0x1] =	stream.indirect_vreg.gather [hbm:s2], $0x80, v0, vm1, $0x38;
	[tilespmem:$0x1A340] =	vst v63  }
0x26: {  	s14 =	simm.s32 $0x80;
	v0 =	vld.msk [tilespmem:s31+$0x1A0 ss:$0x1], $0xffff  }
.LBB2_4:
0x27: {  	p0 =	sne.s32 s14, $0x640;
	_ =	sdelay $0x4  }
0x28: {  	v1 =	vshll.u32 v0, $0x7  }
0x29: {  	vm2 =	veq.s32 v0, $0x80000000;
	v0 =	vand.u32 $0x1F80, v1  }
0x2a: {  	v1 =	vand.u32 $0x1FE000, v1;
	v0 =	vsel vm2, $0xFFFFFF80, v0  }
0x2b: {  	v1 =	vsel vm2, $0xFFFFE000, v1;
	v2 =	vand.u32 $0xFFFFFC00, v0  }
0x2c: {  	v0 =	vand.u32 $0x380, v0;
	v1 =	vadd.s32 v1, v2  }
0x2d: {  	v0 =	vor.u32 v0, v1  }
0x2e: {  	v0 =	vshrl.u32 v0, $0x3;
	_ =	sdelay $0x3  }
.Ltmp3:
0x2f: {  	s13 =	sadd.s32 $0x800, s13;
	(pc) =	sbr.rel @p0 .LBB2_4-.Ltmp3, $4  }
0x30: {  	[tilespmem:s13], [sflag:$0x1] =	stream.indirect_vreg.gather [hbm:s2], $0x80, v0, vm0, $0x38;
	[tilespmem:$0x1A340] =	vst v63  }
0x31: {  	s15 =	sshra.s32 s14, $0x2;
	s16 =	sadd.s32 $0x400, s13  }
0x32: {  	[tilespmem:s16], [sflag:$0x1] =	stream.indirect_vreg.gather [hbm:s2], $0x80, v0, vm1, $0x38;
	[tilespmem:$0x1A340] =	vst v63  }
0x33: {  	s14 =	sadd.s32 $0x40, s14;
	v0 =	vld.msk [tilespmem:s15+$0x1A0 ss:$0x1], $0xffff  }
0x34: {  	_ =	sdelay $0x3  }
0x35: {  	v1 =	vshll.u32 v0, $0x7  }
0x36: {  	vm2 =	veq.s32 v0, $0x80000000;
	v63 =	vand.u32 $0x1F80, v1  }
0x37: {  	v1 =	vand.u32 $0x1FE000, v1;
	v0 =	vsel vm2, $0xFFFFFF80, v63  }
0x38: {  	v1 =	vsel vm2, $0xFFFFE000, v1;
	v2 =	vand.u32 $0xFFFFFC00, v0  }
0x39: {  	v0 =	vand.u32 $0x380, v0;
	v1 =	vadd.s32 v1, v2  }
0x3a: {  	v0 =	vor.u32 v0, v1  }
0x3b: {  	v0 =	vshrl.u32 v0, $0x3;
	_ =	sdelay $0x3  }
0x3c: {  	s13 =	sadd.s32 $0x800, s13  }
0x3d: {  	[tilespmem:s13], [sflag:$0x1] =	stream.indirect_vreg.gather [hbm:s2], $0x80, v0, vm0, $0x38;
	[tilespmem:$0x1A340] =	vst v63  }
0x3e: {  	s13 =	sadd.s32 $0x400, s13  }
0x3f: {  	[tilespmem:s13], [sflag:$0x1] =	stream.indirect_vreg.gather [hbm:s2], $0x80, v0, vm1, $0x38;
	[tilespmem:$0x1A340] =	vst v63  }
0x40: {  	s12 =	sshll.u32 s12, $0x4;
	s14 =	simm.s32 $0x80;
	_ =	swait.ge [sflag:s3], $0xD000  }
0x41: {  	s15 =	simm.s32 $0xD740;
	s12 =	sadd.s32 s12, s7;
	[sflag:s3] =	ssyncset.done $0x0  }
0x42: {  	s16 =	sadd.s32 $0x0, s12;
	s13 =	simm.s32 $0xD340;
	[sflag:s3] =	ssyncadd.s32 $0xFFFF3000  }
.LBB2_6:
0x43: {  	[hbm:s16] =	stream.linear.scatter [tilespmem:s13], [sflag:$0x3], $0x400, $0x38;
	[tilespmem:$0x1A340] =	vst v63  }
0x44: {  	s16 =	smov.u32 s14;
	s13 =	smov.u32 s15;
	p0 =	seq.s32 s14, $0x1980  }
.Ltmp4:
0x45: {  	s14 =	sadd.s32 $0x80, s14;
	(pc) =	sbr.rel @!p0 .LBB2_6-.Ltmp4, $2  }
0x46: {  	_ =	sdelay $0x2  }
0x47: {  	s15 =	sadd.s32 $0x400, s15;
	s16 =	sadd.s32 s16, s12  }
.Ltmp5:
0x48: {  	(pc) =	sbr.rel .LBB2_8-.Ltmp5, $2  }
0x49: {  	_ =	sdelay $0x2  }
0x4a: {  	[hbm:s16] =	stream.linear.scatter [tilespmem:s13], [sflag:$0x3], $0x400, $0x38;
	[tilespmem:$0x1A340] =	vst v63  }
.LBB2_9:
0x4b: {  	s2 =	simm.s32 $0x3  }
0x4c: {  	_ =	swait.ge [sflag:s2], $0xD000  }
0x4d: {  	[sflag:s2] =	ssyncset.done $0x0  }
0x4e: {  	[sflag:s2] =	ssyncadd.s32 $0xFFFF3000  }
0x4f: {  	_ =	sfence.sel $0x180000  }
0x50: {  	s3 =	simm.s32 $0x2;
	[bflag:$0x0] =	sbarrier.arrive $0xFFFF  }
0x51: {  	[sflag:s3] =	ssyncpa.u1 $0x1  }
0x52: {  	s31 =	simm.s32 $0x1;
	[sflag:s2] =	ssyncpa.u1 $0x1  }
0x53: {  	[sflag:s31] =	ssyncpa.u1 $0x1  }
0x54: {  	p0 =	sne.s32 s1, $0x0;
	_ =	strace $0x9000004D  }
0x55: {  	s0 =	sadd.s32 @!p0 $0x100000, s0;
	[bflag:$0x2] =	sbarrier.arrive $0xFFFF  }
0x56: {  	[sflag:s0] =	ssyncadd.tile.s32 @!p0 $0x1;
	_ =	shalt  }
.Lfunc_end2:
_tile_overlayer_lowered:
.L_overlay_start_2:
0x57: {  	(tag) =	ssettag $0x2  }
0x58: {  	s0 =	rddreg [dreg:$0x0];
	s2 =	stileid.u32  }
0x59: {  	s1 =	rddreg [dreg:$0x1];
	p0 =	sne.s32 s2, $0x0  }
0x5a: {  	s3 =	rddreg [dreg:$0x2];
	[bflag:$0x3] =	sbarrier.arrive $0xFFFF;
	s2 =	simm.s32 @!p0 $0x1C01  }
0x5b: {  	[timem:s3], [sflag:s2] =	dma.local @!p0 [hbm:s0], s1  }
0x5c: {  	s0 =	simm.s32 @!p0 $0x1  }
0x5d: {  	_ =	swait.ge @!p0 [sflag:s0], s1  }
0x5e: {  	s1 =	ssub.s32 @!p0 $0x0, s1;
	[sflag:s0] =	ssyncset.done @!p0 $0x0  }
0x5f: {  	[sflag:s0] =	ssyncadd.s32 @!p0 s1  }
0x60: {  	[bflag:$0x3] =	sbarrier.arrive $0xFFFF  }
0x61: {  	_ =	shalt  }

// kernel: gather_offload_async_start.2
scs
__scs_entry_jumppad:
0x0: {  	(pc) =	sbr.rel $0x88, $3  }
0x1: {  	(tag) =	ssettag $0x0;
	lr =	simm.s32 $0x1  }
0x2: {  	[smem:$0x3F9C] =	sst lr;
	_ =	strace $0xD0000000  }
0x3: {  	_ = 	snop  }
0x4: {  	_ = 	snop  }
0x5: {  	_ = 	snop  }
0x6: {  	_ = 	snop  }
0x7: {  	_ = 	snop  }
__scs_overlays_trampoline_lowered:
0x8: {  	[smem:$0x3FAB] =	sst s0  }
0x9: {  	[smem:$0x3FAC] =	sst s1  }
0xa: {  	[smem:$0x3FAD] =	sst s2  }
0xb: {  	[smem:$0x3FAE] =	sst s3  }
0xc: {  	[smem:$0x3FAF] =	sst s4  }
0xd: {  	[smem:$0x3FB0] =	sst s5  }
0xe: {  	[smem:$0x3FB1] =	sst s6  }
0xf: {  	[smem:$0x3FB2] =	sst s7  }
0x10: {  	[smem:$0x3FB3] =	sst s8  }
0x11: {  	[smem:$0x3FB4] =	sst s9;
	s0 =	simm.s32 @!p0 $0x0  }
0x12: {  	s1 =	sld [smem:$0x3F9A];
	s0 =	simm.s32 @p0 $0x1  }
0x13: {  	[smem:$0x3FB5] =	sst s0;
	s0 =	simm.s32 @!p1 $0x0  }
0x14: {  	s2 =	sld [smem:$0x3F99];
	s0 =	simm.s32 @p1 $0x1  }
0x15: {  	[smem:$0x3FB6] =	sst s0;
	s0 =	simm.s32 @!p2 $0x0  }
0x16: {  	s3 =	sld [smem:$0x3FDB];
	s0 =	simm.s32 @p2 $0x1  }
0x17: {  	s4 =	simm.s32 $0x1BF5;
	[smem:$0x3FB8] =	sst s0  }
0x18: {  	s0 =	sld [smem:$0x3F9B];
	_ =	swait.ge [sflag:s4], $0x0  }
0x19: {  	s7 =	sld [smem:$0x3F9C]  }
0x1a: {  	s8 =	sadd.s32 $0xFFFFE003, lr  }
0x1b: {  	s9 =	sadd.s32 $0xFFFFFEF7, lr;
	s5 =	simm.s32 $0xFFFFFFFF;
	p2 =	slt.u32 s8, $0xFFFFF086  }
0x1c: {  	p1 =	slt.u32 s9, $0xF7A;
	s5 =	simm.s32 @!p2 $0x0  }
0x1d: {  	s5 =	simm.s32 @p1 $0x1;
	p0 =	seq.s32 s7, s2  }
0x1e: {  	s7 =	smul.u32 @!p0 $0xF7A, s2;
	p2 =	seq.s32 @!p0 s5, $0x0  }
0x1f: {  	s9 =	smul.u32 $0xF7A, s1;
	s8 =	simm.s32 @!p0 $0x1BF5;
	p2 =	por !p2, p0  }
0x20: {  	[sflag:s8] =	ssyncset.s32 @!p0 $0xFFFFF086;
	s6 =	sadd.s32 @!p0 s3, s7;
	s7 =	simm.s32 @!p0 $0x108  }
0x21: {  	s3 =	sadd.s32 s3, s9;
	s6 =	sadd.s32 @!p0 $0x88, s6;
	s7 =	simm.s32 @p2 $0x1082  }
0x22: {  	[simem:s7], [sflag:s8] =	dma.local @!p0 [hbm:s6], $0xF7A  }
0x23: {  	s9 =	sor.u32 $0xD0000000, s2;
	s6 =	simm.s32 $0x108;
	_ =	swait.ge @!p0 [sflag:s8], $0x0  }
0x24: {  	s3 =	sadd.s32 $0x88, s3;
	s6 =	simm.s32 @!p1 $0x1082;
	[sflag:s4] =	ssyncset.s32 $0xFFFFF086  }
0x25: {  	[simem:s6], [sflag:s4] =	dma.local [hbm:s3], $0xF7A  }
0x26: {  	[smem:$0x3F9C] =	sst s1;
	(tag) =	ssettag s2;
	_ =	strace s9  }
0x27: {  	s1 =	sld [smem:$0x3FAC]  }
0x28: {  	s2 =	sld [smem:$0x3FAD]  }
0x29: {  	s4 =	sld [smem:$0x3FAF]  }
0x2a: {  	p0 =	seq.s32 s5, $0x0;
	s5 =	sld [smem:$0x3FB0]  }
0x2b: {  	s6 =	sld [smem:$0x3FB1]  }
0x2c: {  	s7 =	sld [smem:$0x3FB2]  }
0x2d: {  	s3 =	simm.s32 $0x108;
	s8 =	sld [smem:$0x3FB3]  }
0x2e: {  	s3 =	simm.s32 @!p0 $0x1082;
	s9 =	sld [smem:$0x3FB4]  }
0x2f: {  	lr =	sadd.s32 s0, s3;
	s0 =	sld [smem:$0x3FAB]  }
0x30: {  	s3 =	sld [smem:$0x3FAE]  }
0x31: {  	[smem:$0x3FB7] =	sst s10  }
0x32: {  	s10 =	sld [smem:$0x3FB5];
	_ =	sdelay $0x3  }
0x33: {  	p0 =	seq.s32 s10, $0x1;
	s10 =	sld [smem:$0x3FB7];
	_ =	sdelay $0x3  }
0x34: {  	[smem:$0x3FB7] =	sst s10  }
0x35: {  	s10 =	sld [smem:$0x3FB6];
	_ =	sdelay $0x3  }
0x36: {  	p1 =	seq.s32 s10, $0x1;
	s10 =	sld [smem:$0x3FB7];
	_ =	sdelay $0x3  }
0x37: {  	[smem:$0x3FB7] =	sst s10  }
0x38: {  	s10 =	sld [smem:$0x3FB8]  }
0x39: {  	_ = 	snop;
	(pc) =	sbr.ind lr, $3  }
0x3a: {  	_ = 	snop  }
0x3b: {  	_ = 	snop  }
0x3c: {  	p2 =	seq.s32 s10, $0x1;
	s10 =	sld [smem:$0x3FB7]  }
0x3d: {  	_ =	shalt  }
0x3e: {  	_ =	shalt  }
0x3f: {  	_ =	shalt  }
0x40: {  	_ =	shalt  }
0x41: {  	_ =	shalt  }
0x42: {  	_ =	shalt  }
0x43: {  	_ =	shalt  }
0x44: {  	_ =	shalt  }
0x45: {  	_ =	shalt  }
0x46: {  	_ =	shalt  }
0x47: {  	_ =	shalt  }
0x48: {  	_ =	shalt  }
0x49: {  	_ =	shalt  }
0x4a: {  	_ =	shalt  }
0x4b: {  	_ =	shalt  }
0x4c: {  	_ =	shalt  }
0x4d: {  	_ =	shalt  }
0x4e: {  	_ =	shalt  }
0x4f: {  	_ =	shalt  }
0x50: {  	_ =	shalt  }
0x51: {  	_ =	shalt  }
0x52: {  	_ =	shalt  }
0x53: {  	_ =	shalt  }
0x54: {  	_ =	shalt  }
0x55: {  	_ =	shalt  }
0x56: {  	_ =	shalt  }
0x57: {  	_ =	shalt  }
0x58: {  	_ =	shalt  }
0x59: {  	_ =	shalt  }
0x5a: {  	_ =	shalt  }
0x5b: {  	_ =	shalt  }
0x5c: {  	_ =	shalt  }
0x5d: {  	_ =	shalt  }
0x5e: {  	_ =	shalt  }
0x5f: {  	_ =	shalt  }
0x60: {  	_ =	shalt  }
0x61: {  	_ =	shalt  }
0x62: {  	_ =	shalt  }
0x63: {  	_ =	shalt  }
0x64: {  	_ =	shalt  }
0x65: {  	_ =	shalt  }
0x66: {  	_ =	shalt  }
0x67: {  	_ =	shalt  }
0x68: {  	_ =	shalt  }
0x69: {  	_ =	shalt  }
0x6a: {  	_ =	shalt  }
0x6b: {  	_ =	shalt  }
0x6c: {  	_ =	shalt  }
0x6d: {  	_ =	shalt  }
0x6e: {  	_ =	shalt  }
0x6f: {  	_ =	shalt  }
0x70: {  	_ =	shalt  }
0x71: {  	_ =	shalt  }
0x72: {  	_ =	shalt  }
0x73: {  	_ =	shalt  }
0x74: {  	_ =	shalt  }
0x75: {  	_ =	shalt  }
0x76: {  	_ =	shalt  }
0x77: {  	_ =	shalt  }
0x78: {  	_ =	shalt  }
0x79: {  	_ =	shalt  }
0x7a: {  	_ =	shalt  }
0x7b: {  	_ =	shalt  }
0x7c: {  	_ =	shalt  }
0x7d: {  	_ =	shalt  }
0x7e: {  	_ =	shalt  }
0x7f: {  	_ =	shalt  }
0x80: {  	_ =	shalt  }
0x81: {  	_ =	shalt  }
0x82: {  	_ =	shalt  }
0x83: {  	_ =	shalt  }
0x84: {  	_ =	shalt  }
0x85: {  	_ =	shalt  }
0x86: {  	_ =	shalt  }
0x87: {  	_ =	shalt  }
.Lfunc_end0:
.L_simem_size_0:
called_computation.2_lowered:
.L_overlay_start_0:
0x88: {  	s2 =	sld [smem:$0x3FD9]  }
0x89: {  	s3 =	sld [smem:$0x3FFE];
	_ =	sdelay $0x1  }
0x8a: {  	s1 =	srdreg.scid  }
0x8b: {  	s0 =	sand.u32 $0x1, s1  }
0x8c: {  	s17 =	sshll.u32 s0, $0xA;
	s2 =	sadd.s32 s3, s2  }
0x8d: {  	s2 =	sadd.s32 s2, s17  }
0x8e: {  	[smem:$0x3FC3] =	sst s2  }
0x8f: {  	_ = 	snop  }
0x90: {  	s18 =	sld [smem:$0x3FD0];
	(tm) =	ssettm $0x1  }
0x91: {  	s19 =	sld [smem:$0x3FFB];
	_ =	sdelay $0x3  }
0x92: {  	_ =	strace s19  }
0x93: {  	s2 =	sld [smem:$0x3FFC];
	_ =	sdelay $0x3  }
0x94: {  	_ =	strace s2  }
0x95: {  	s2 =	sld [smem:$0x3FFD];
	_ =	sdelay $0x3  }
0x96: {  	_ =	strace s2  }
0x97: {  	_ =	strace $0x8FFFFFFF  }
0x98: {  	s20 =	sld [smem:$0x3FDB];
	_ =	sdelay $0x1  }
0x99: {  	s4 =	simm.s32 $_scs_section_size  }
0x9a: {  	s5 =	simm.s32 $_size__tile_overlayer_lowered;
	s6 =	simm.s32 $_tile_overlayer_lowered  }
0x9b: {  	s7 =	simm.s32 $0x1BFF;
	s21 =	sshll.u32 s6, $0x1;
	s4 =	sadd.s32 s4, s20  }
0x9c: {  	s22 =	simm.s32 $0x0;
	s5 =	sshll.u32 s5, $0x1;
	s6 =	sadd.s32 s21, s4  }
0x9d: {  	[timem:s22], [sflag:s7] =	dma.local [hbm:s6], s5  }
0x9e: {  	_ =	swait.ge [sflag:s7], s5  }
0x9f: {  	s5 =	ssub.s32 $0x0, s5;
	[sflag:s7] =	ssyncset.done $0x0  }
0xa0: {  	[sflag:s7] =	ssyncadd.s32 s5;
	_ =	sdelay $0x1  }
0xa1: {  	s23 =	simm.s32 $0x1B8B  }
0xa2: {  	_ =	swait.ge [sflag:s23], $0x1  }
0xa3: {  	[sflag:s23] =	ssyncset.done $0x0  }
0xa4: {  	[sflag:s23] =	ssyncadd.s32 $0xFFFFFFFF  }
0xa5: {  	s5 =	sld [smem:$0x0]  }
0xa6: {  	s6 =	sand.u32 $0xFFFFFFFE, s1  }
0xa7: {  	p0 =	sne.s32 s1, s6  }
0xa8: {  	s6 =	sshll.u32 @p0 s6, $0xE  }
0xa9: {  	s6 =	sadd.s32 @p0 $0x11B8D, s6;
	s7 =	sshll.u32 @p0 s5, $0x11  }
0xaa: {  	s6 =	sor.u32 @p0 s7, s6  }
0xab: {  	[sflag:s6] =	ssyncadd.remote.s32 @p0 $0x1;
	_ =	sdelay $0x1  }
0xac: {  	s6 =	simm.s32 @p0 $0x1B8D  }
0xad: {  	_ =	swait.eq @p0 [sflag:s6], $0x1  }
0xae: {  	[sflag:s6] =	ssyncadd.s32 @p0 $0xFFFFFFFF  }
0xaf: {  	s7 =	sshll.u32 @!p0 s1, $0xE  }
0xb0: {  	s7 =	sor.u32 @!p0 $0x4000, s7;
	s6 =	simm.s32 @!p0 $0x1B8D  }
0xb1: {  	s5 =	sshll.u32 @!p0 s5, $0x11;
	s7 =	sadd.s32 @!p0 $0x11B8D, s7;
	_ =	swait.eq @!p0 [sflag:s6], $0x1  }
0xb2: {  	s5 =	sor.u32 @!p0 s5, s7;
	[sflag:s6] =	ssyncadd.s32 @!p0 $0xFFFFFFFF  }
0xb3: {  	s25 =	simm.s32 $0x1B8E;
	s24 =	sld [smem:$0x3FFE];
	[sflag:s5] =	ssyncadd.remote.s32 @!p0 $0x1  }
0xb4: {  	s26 =	simm.s32 $execute0_lowered;
	[smem:$0x3FD2] =	sst s25  }
0xb5: {  	s6 =	sshll.u32 s26, $0x1;
	_ =	strace $0x80000049;
	[dreg:$0x1] =	wrdreg $0xFFFFFFFF  }
0xb6: {  	s28 =	simm.s32 $_size_execute0_lowered;
	s4 =	sadd.s32 s4, s6;
	[dreg:$0x0] =	wrdreg $0x0  }
0xb7: {  	s6 =	sshll.u32 s28, $0x1;
	[dreg:$0x2] =	wrdreg s4  }
0xb8: {  	[dreg:$0x3] =	wrdreg s6  }
0xb9: {  	[dreg:$0x4] =	wrdreg $0xC0  }
0xba: {  	_ =	task [dreg:s22], $0x5FFFF  }
0xbb: {  	[dreg:$0x1] =	wrdreg $0xFFFFFFFF  }
0xbc: {  	[dreg:$0x0] =	wrdreg $0x60  }
0xbd: {  	[dreg:$0x2] =	wrdreg s18  }
0xbe: {  	[dreg:$0x3] =	wrdreg s24  }
0xbf: {  	[dreg:$0x4] =	wrdreg $0xB  }
0xc0: {  	_ =	task.clear_ibuf [dreg:s22], $0x5FFFF;
	_ =	strace $0x90000049  }
0xc1: {  	s29 =	simm.s32 $0xB;
	_ =	strace $0x8000004B  }
0xc2: {  	_ =	swait.ge [sflag:s29], $0x1  }
0xc3: {  	[sflag:s29] =	ssyncadd.s32 $0xFFFFFFFF  }
0xc4: {  	_ =	strace $0x9000004B  }
0xc5: {  	_ =	sfence  }
0xc6: {  	s30 =	sld [smem:$0x0];
	_ =	sdelay $0x2  }
0xc7: {  	s31 =	sshll.u32 s1, $0xD;
	s1 =	sshrl.u32 s1, $0x2  }
0xc8: {  	s4 =	sand.u32 $0x4000, s31;
	s1 =	sadd.s32 s1, s30  }
0xc9: {  	s0 =	sor.u32 s4, s0;
	s1 =	sshll.u32 s1, $0x11  }
0xca: {  	s0 =	sor.u32 s1, s0  }
0xcb: {  	s0 =	sadd.s32 $0x8F2B, s0  }
0xcc: {  	[sflag:s0] =	ssyncadd.remote.s32 $0x1  }
0xcd: {  	_ =	sfence.sel $0xFFFF  }
0xce: {  	[dreg:$0x0] =	wrdreg $0xFFFFFFFF;
	(pc) =	sbr.abs _section_cstart, $3  }
0xcf: {  	[dreg:$0x1] =	wrdreg $0xFFFFFFFF  }
0xd0: {  	_ =	task.clear_ibuf [dreg:s22], $0x2FFFF;
	_ =	strace $0x9FFFFFFF  }
0xd1: {  	(tm) =	ssettm $0x7FFFFFFF  }
tec
execute0_lowered:
.L_overlay_start_1:
0x0: {  	(tag) =	ssettag $0x1  }
0x1: {  	s2 =	rddreg [dreg:$0x0]  }
0x2: {  	s0 =	srdreg.scid;
	s7 =	rddreg [dreg:$0x1]  }
0x3: {  	s1 =	stileid.u32;
	s5 =	simm.s32 $0x2;
	s9 =	simm.s32 $0x3  }
0x4: {  	s3 =	sshll.u32 s0, $0x4;
	s0 =	rddreg [dreg:$0x2];
	_ =	strace $0x8000004A  }
.Ltmp0:
0x5: {  	s4 =	sand.u32 $0x10, s3;
	s3 =	simm.s32 $0x1;
	(pc) =	sbr.rel .LBB2_1-.Ltmp0, $4  }
0x6: {  	s12 =	simm.s32 $0x0;
	s4 =	sor.u32 s1, s4;
	[sflag:s3] =	ssyncpa.u1 $0x0  }
0x7: {  	s10 =	simm.s32 $0x0;
	s4 =	smul.u32 $0x1A0, s4;
	[sflag:s5] =	ssyncpa.u1 $0x0  }
0x8: {  	s6 =	sadd.s32 $0x2C00, s7;
	s7 =	sadd.s32 $0x3400, s7;
	[sflag:s9] =	ssyncpa.u1 $0x0  }
0x9: {  	vm0 =	vmmov $0xff;
	vm1 =	vcmask $0x3F20;
	s9 =	simm.s32 $0x1A0;
	s8 =	sadd.s32 $0x1A0, s4;
	s11 =	smov.u32 s4  }
.LBB2_10:
0xa: {  	s12 =	sshrl.u32 s11, $0x3  }
0xb: {  	s13 =	sand.u32 $0x7, s11;
	s12 =	sadd.s32 s6, s12  }
0xc: {  	[tilespmem:s9], [sflag:$0x2] =	stream.linear.gather [hbm4b:s12+s13], $0x1A0, $0x38;
	[tilespmem:$0x1A340] =	vst v63  }
.LBB2_8:
0xd: {  	s12 =	sadd.s32 $0x1A0, s11  }
0xe: {  	s13 =	smov.u32 s4;
	p0 =	slt.s32 s12, s8  }
0xf: {  	s13 =	smov.u32 @p0 s12  }
0x10: {  	s10 =	sadd.s32 $0x1, s10;
	s12 =	smov.u32 s11;
	s11 =	smov.u32 s13  }
.LBB2_1:
0x11: {  	p0 =	seq.s32 s10, $0x0  }
.Ltmp1:
0x12: {  	_ = 	snop;
	(pc) =	sbr.rel @p0 .LBB2_10-.Ltmp1, $1  }
0x13: {  	_ =	sdelay $0x3  }
0x14: {  	p0 =	seq.s32 s10, $0x1  }
.Ltmp2:
0x15: {  	_ = 	snop;
	(pc) =	sbr.rel @!p0 .LBB2_9-.Ltmp2, $1  }
0x16: {  	_ =	sdelay $0x3  }
0x17: {  	_ =	swait.ge [sflag:s5], $0x1A0  }
0x18: {  	[sflag:s5] =	ssyncset.done $0x0  }
0x19: {  	s13 =	simm.s32 $0x0;
	[sflag:s5] =	ssyncadd.s32 $0xFFFFFE60  }
0x1a: {  	v0 =	vld.msk [tilespmem:s13+$0x1A0 ss:$0x1], $0xffff;
	_ =	sdelay $0x4  }
0x1b: {  	v1 =	vshll.u32 v0, $0x7  }
0x1c: {  	vm2 =	veq.s32 v0, $0x80000000;
	v0 =	vand.u32 $0x1F80, v1  }
0x1d: {  	v1 =	vand.u32 $0x1FE000, v1;
	v0 =	vsel vm2, $0xFFFFFF80, v0  }
0x1e: {  	v1 =	vsel vm2, $0xFFFFE000, v1;
	v2 =	vand.u32 $0xFFFFFC00, v0  }
0x1f: {  	v0 =	vand.u32 $0x380, v0;
	v1 =	vadd.s32 v1, v2  }
0x20: {  	v0 =	vor.u32 v0, v1  }
0x21: {  	v0 =	vshrl.u32 v0, $0x3;
	_ =	sdelay $0x3  }
0x22: {  	s13 =	simm.s32 $0xD340  }
0x23: {  	[tilespmem:s13], [sflag:$0x1] =	stream.indirect_vreg.gather [hbm:s2], $0x80, v0, vm0, $0x38;
	[tilespmem:$0x1A340] =	vst v63  }
0x24: {  	s14 =	simm.s32 $0xD740;
	s31 =	simm.s32 $0x10  }
0x25: {  	[tilespmem:s14], [sflag:$0x1] =	stream.indirect_vreg.gather [hbm:s2], $0x80, v0, vm1, $0x38;
	[tilespmem:$0x1A340] =	vst v63  }
0x26: {  	s14 =	simm.s32 $0x80;
	v0 =	vld.msk [tilespmem:s31+$0x1A0 ss:$0x1], $0xffff  }
.LBB2_4:
0x27: {  	p0 =	sne.s32 s14, $0x640;
	_ =	sdelay $0x4  }
0x28: {  	v1 =	vshll.u32 v0, $0x7  }
0x29: {  	vm2 =	veq.s32 v0, $0x80000000;
	v0 =	vand.u32 $0x1F80, v1  }
0x2a: {  	v1 =	vand.u32 $0x1FE000, v1;
	v0 =	vsel vm2, $0xFFFFFF80, v0  }
0x2b: {  	v1 =	vsel vm2, $0xFFFFE000, v1;
	v2 =	vand.u32 $0xFFFFFC00, v0  }
0x2c: {  	v0 =	vand.u32 $0x380, v0;
	v1 =	vadd.s32 v1, v2  }
0x2d: {  	v0 =	vor.u32 v0, v1  }
0x2e: {  	v0 =	vshrl.u32 v0, $0x3;
	_ =	sdelay $0x3  }
.Ltmp3:
0x2f: {  	s13 =	sadd.s32 $0x800, s13;
	(pc) =	sbr.rel @p0 .LBB2_4-.Ltmp3, $4  }
0x30: {  	[tilespmem:s13], [sflag:$0x1] =	stream.indirect_vreg.gather [hbm:s2], $0x80, v0, vm0, $0x38;
	[tilespmem:$0x1A340] =	vst v63  }
0x31: {  	s15 =	sshra.s32 s14, $0x2;
	s16 =	sadd.s32 $0x400, s13  }
0x32: {  	[tilespmem:s16], [sflag:$0x1] =	stream.indirect_vreg.gather [hbm:s2], $0x80, v0, vm1, $0x38;
	[tilespmem:$0x1A340] =	vst v63  }
0x33: {  	s14 =	sadd.s32 $0x40, s14;
	v0 =	vld.msk [tilespmem:s15+$0x1A0 ss:$0x1], $0xffff  }
0x34: {  	_ =	sdelay $0x3  }
0x35: {  	v1 =	vshll.u32 v0, $0x7  }
0x36: {  	vm2 =	veq.s32 v0, $0x80000000;
	v63 =	vand.u32 $0x1F80, v1  }
0x37: {  	v1 =	vand.u32 $0x1FE000, v1;
	v0 =	vsel vm2, $0xFFFFFF80, v63  }
0x38: {  	v1 =	vsel vm2, $0xFFFFE000, v1;
	v2 =	vand.u32 $0xFFFFFC00, v0  }
0x39: {  	v0 =	vand.u32 $0x380, v0;
	v1 =	vadd.s32 v1, v2  }
0x3a: {  	v0 =	vor.u32 v0, v1  }
0x3b: {  	v0 =	vshrl.u32 v0, $0x3;
	_ =	sdelay $0x3  }
0x3c: {  	s13 =	sadd.s32 $0x800, s13  }
0x3d: {  	[tilespmem:s13], [sflag:$0x1] =	stream.indirect_vreg.gather [hbm:s2], $0x80, v0, vm0, $0x38;
	[tilespmem:$0x1A340] =	vst v63  }
0x3e: {  	s13 =	sadd.s32 $0x400, s13  }
0x3f: {  	[tilespmem:s13], [sflag:$0x1] =	stream.indirect_vreg.gather [hbm:s2], $0x80, v0, vm1, $0x38;
	[tilespmem:$0x1A340] =	vst v63  }
0x40: {  	s12 =	sshll.u32 s12, $0x4;
	s14 =	simm.s32 $0x80;
	_ =	swait.ge [sflag:s3], $0xD000  }
0x41: {  	s15 =	simm.s32 $0xD740;
	s12 =	sadd.s32 s12, s7;
	[sflag:s3] =	ssyncset.done $0x0  }
0x42: {  	s16 =	sadd.s32 $0x0, s12;
	s13 =	simm.s32 $0xD340;
	[sflag:s3] =	ssyncadd.s32 $0xFFFF3000  }
.LBB2_6:
0x43: {  	[hbm:s16] =	stream.linear.scatter [tilespmem:s13], [sflag:$0x3], $0x400, $0x38;
	[tilespmem:$0x1A340] =	vst v63  }
0x44: {  	s16 =	smov.u32 s14;
	s13 =	smov.u32 s15;
	p0 =	seq.s32 s14, $0x1980  }
.Ltmp4:
0x45: {  	s14 =	sadd.s32 $0x80, s14;
	(pc) =	sbr.rel @!p0 .LBB2_6-.Ltmp4, $2  }
0x46: {  	_ =	sdelay $0x2  }
0x47: {  	s15 =	sadd.s32 $0x400, s15;
	s16 =	sadd.s32 s16, s12  }
.Ltmp5:
0x48: {  	(pc) =	sbr.rel .LBB2_8-.Ltmp5, $2  }
0x49: {  	_ =	sdelay $0x2  }
0x4a: {  	[hbm:s16] =	stream.linear.scatter [tilespmem:s13], [sflag:$0x3], $0x400, $0x38;
	[tilespmem:$0x1A340] =	vst v63  }
.LBB2_9:
0x4b: {  	s2 =	simm.s32 $0x3  }
0x4c: {  	_ =	swait.ge [sflag:s2], $0xD000  }
0x4d: {  	[sflag:s2] =	ssyncset.done $0x0  }
0x4e: {  	[sflag:s2] =	ssyncadd.s32 $0xFFFF3000  }
0x4f: {  	_ =	sfence.sel $0x180000  }
0x50: {  	s3 =	simm.s32 $0x2;
	[bflag:$0x0] =	sbarrier.arrive $0xFFFF  }
0x51: {  	[sflag:s3] =	ssyncpa.u1 $0x1  }
0x52: {  	s31 =	simm.s32 $0x1;
	[sflag:s2] =	ssyncpa.u1 $0x1  }
0x53: {  	[sflag:s31] =	ssyncpa.u1 $0x1  }
0x54: {  	p0 =	sne.s32 s1, $0x0;
	_ =	strace $0x9000004A  }
0x55: {  	s0 =	sadd.s32 @!p0 $0x100000, s0;
	[bflag:$0x2] =	sbarrier.arrive $0xFFFF  }
0x56: {  	[sflag:s0] =	ssyncadd.tile.s32 @!p0 $0x1;
	_ =	shalt  }
.Lfunc_end2:
_tile_overlayer_lowered:
.L_overlay_start_2:
0x57: {  	(tag) =	ssettag $0x2  }
0x58: {  	s0 =	rddreg [dreg:$0x0];
	s2 =	stileid.u32  }
0x59: {  	s1 =	rddreg [dreg:$0x1];
	p0 =	sne.s32 s2, $0x0  }
0x5a: {  	s3 =	rddreg [dreg:$0x2];
	[bflag:$0x3] =	sbarrier.arrive $0xFFFF;
	s2 =	simm.s32 @!p0 $0x1C01  }
0x5b: {  	[timem:s3], [sflag:s2] =	dma.local @!p0 [hbm:s0], s1  }
0x5c: {  	s0 =	simm.s32 @!p0 $0x1  }
0x5d: {  	_ =	swait.ge @!p0 [sflag:s0], s1  }
0x5e: {  	s1 =	ssub.s32 @!p0 $0x0, s1;
	[sflag:s0] =	ssyncset.done @!p0 $0x0  }
0x5f: {  	[sflag:s0] =	ssyncadd.s32 @!p0 s1  }
0x60: {  	[bflag:$0x3] =	sbarrier.arrive $0xFFFF  }
0x61: {  	_ =	shalt  }

// kernel: gather_offload_async_start
scs
__scs_entry_jumppad:
0x0: {  	(pc) =	sbr.rel $0x88, $3  }
0x1: {  	(tag) =	ssettag $0x0;
	lr =	simm.s32 $0x1  }
0x2: {  	[smem:$0x3F9C] =	sst lr;
	_ =	strace $0xD0000000  }
0x3: {  	_ = 	snop  }
0x4: {  	_ = 	snop  }
0x5: {  	_ = 	snop  }
0x6: {  	_ = 	snop  }
0x7: {  	_ = 	snop  }
__scs_overlays_trampoline_lowered:
0x8: {  	[smem:$0x3FAB] =	sst s0  }
0x9: {  	[smem:$0x3FAC] =	sst s1  }
0xa: {  	[smem:$0x3FAD] =	sst s2  }
0xb: {  	[smem:$0x3FAE] =	sst s3  }
0xc: {  	[smem:$0x3FAF] =	sst s4  }
0xd: {  	[smem:$0x3FB0] =	sst s5  }
0xe: {  	[smem:$0x3FB1] =	sst s6  }
0xf: {  	[smem:$0x3FB2] =	sst s7  }
0x10: {  	[smem:$0x3FB3] =	sst s8  }
0x11: {  	[smem:$0x3FB4] =	sst s9;
	s0 =	simm.s32 @!p0 $0x0  }
0x12: {  	s1 =	sld [smem:$0x3F9A];
	s0 =	simm.s32 @p0 $0x1  }
0x13: {  	[smem:$0x3FB5] =	sst s0;
	s0 =	simm.s32 @!p1 $0x0  }
0x14: {  	s2 =	sld [smem:$0x3F99];
	s0 =	simm.s32 @p1 $0x1  }
0x15: {  	[smem:$0x3FB6] =	sst s0;
	s0 =	simm.s32 @!p2 $0x0  }
0x16: {  	s3 =	sld [smem:$0x3FDB];
	s0 =	simm.s32 @p2 $0x1  }
0x17: {  	s4 =	simm.s32 $0x1BF5;
	[smem:$0x3FB8] =	sst s0  }
0x18: {  	s0 =	sld [smem:$0x3F9B];
	_ =	swait.ge [sflag:s4], $0x0  }
0x19: {  	s7 =	sld [smem:$0x3F9C]  }
0x1a: {  	s8 =	sadd.s32 $0xFFFFE003, lr  }
0x1b: {  	s9 =	sadd.s32 $0xFFFFFEF7, lr;
	s5 =	simm.s32 $0xFFFFFFFF;
	p2 =	slt.u32 s8, $0xFFFFF086  }
0x1c: {  	p1 =	slt.u32 s9, $0xF7A;
	s5 =	simm.s32 @!p2 $0x0  }
0x1d: {  	s5 =	simm.s32 @p1 $0x1;
	p0 =	seq.s32 s7, s2  }
0x1e: {  	s7 =	smul.u32 @!p0 $0xF7A, s2;
	p2 =	seq.s32 @!p0 s5, $0x0  }
0x1f: {  	s9 =	smul.u32 $0xF7A, s1;
	s8 =	simm.s32 @!p0 $0x1BF5;
	p2 =	por !p2, p0  }
0x20: {  	[sflag:s8] =	ssyncset.s32 @!p0 $0xFFFFF086;
	s6 =	sadd.s32 @!p0 s3, s7;
	s7 =	simm.s32 @!p0 $0x108  }
0x21: {  	s3 =	sadd.s32 s3, s9;
	s6 =	sadd.s32 @!p0 $0x88, s6;
	s7 =	simm.s32 @p2 $0x1082  }
0x22: {  	[simem:s7], [sflag:s8] =	dma.local @!p0 [hbm:s6], $0xF7A  }
0x23: {  	s9 =	sor.u32 $0xD0000000, s2;
	s6 =	simm.s32 $0x108;
	_ =	swait.ge @!p0 [sflag:s8], $0x0  }
0x24: {  	s3 =	sadd.s32 $0x88, s3;
	s6 =	simm.s32 @!p1 $0x1082;
	[sflag:s4] =	ssyncset.s32 $0xFFFFF086  }
0x25: {  	[simem:s6], [sflag:s4] =	dma.local [hbm:s3], $0xF7A  }
0x26: {  	[smem:$0x3F9C] =	sst s1;
	(tag) =	ssettag s2;
	_ =	strace s9  }
0x27: {  	s1 =	sld [smem:$0x3FAC]  }
0x28: {  	s2 =	sld [smem:$0x3FAD]  }
0x29: {  	s4 =	sld [smem:$0x3FAF]  }
0x2a: {  	p0 =	seq.s32 s5, $0x0;
	s5 =	sld [smem:$0x3FB0]  }
0x2b: {  	s6 =	sld [smem:$0x3FB1]  }
0x2c: {  	s7 =	sld [smem:$0x3FB2]  }
0x2d: {  	s3 =	simm.s32 $0x108;
	s8 =	sld [smem:$0x3FB3]  }
0x2e: {  	s3 =	simm.s32 @!p0 $0x1082;
	s9 =	sld [smem:$0x3FB4]  }
0x2f: {  	lr =	sadd.s32 s0, s3;
	s0 =	sld [smem:$0x3FAB]  }
0x30: {  	s3 =	sld [smem:$0x3FAE]  }
0x31: {  	[smem:$0x3FB7] =	sst s10  }
0x32: {  	s10 =	sld [smem:$0x3FB5];
	_ =	sdelay $0x3  }
0x33: {  	p0 =	seq.s32 s10, $0x1;
	s10 =	sld [smem:$0x3FB7];
	_ =	sdelay $0x3  }
0x34: {  	[smem:$0x3FB7] =	sst s10  }
0x35: {  	s10 =	sld [smem:$0x3FB6];
	_ =	sdelay $0x3  }
0x36: {  	p1 =	seq.s32 s10, $0x1;
	s10 =	sld [smem:$0x3FB7];
	_ =	sdelay $0x3  }
0x37: {  	[smem:$0x3FB7] =	sst s10  }
0x38: {  	s10 =	sld [smem:$0x3FB8]  }
0x39: {  	_ = 	snop;
	(pc) =	sbr.ind lr, $3  }
0x3a: {  	_ = 	snop  }
0x3b: {  	_ = 	snop  }
0x3c: {  	p2 =	seq.s32 s10, $0x1;
	s10 =	sld [smem:$0x3FB7]  }
0x3d: {  	_ =	shalt  }
0x3e: {  	_ =	shalt  }
0x3f: {  	_ =	shalt  }
0x40: {  	_ =	shalt  }
0x41: {  	_ =	shalt  }
0x42: {  	_ =	shalt  }
0x43: {  	_ =	shalt  }
0x44: {  	_ =	shalt  }
0x45: {  	_ =	shalt  }
0x46: {  	_ =	shalt  }
0x47: {  	_ =	shalt  }
0x48: {  	_ =	shalt  }
0x49: {  	_ =	shalt  }
0x4a: {  	_ =	shalt  }
0x4b: {  	_ =	shalt  }
0x4c: {  	_ =	shalt  }
0x4d: {  	_ =	shalt  }
0x4e: {  	_ =	shalt  }
0x4f: {  	_ =	shalt  }
0x50: {  	_ =	shalt  }
0x51: {  	_ =	shalt  }
0x52: {  	_ =	shalt  }
0x53: {  	_ =	shalt  }
0x54: {  	_ =	shalt  }
0x55: {  	_ =	shalt  }
0x56: {  	_ =	shalt  }
0x57: {  	_ =	shalt  }
0x58: {  	_ =	shalt  }
0x59: {  	_ =	shalt  }
0x5a: {  	_ =	shalt  }
0x5b: {  	_ =	shalt  }
0x5c: {  	_ =	shalt  }
0x5d: {  	_ =	shalt  }
0x5e: {  	_ =	shalt  }
0x5f: {  	_ =	shalt  }
0x60: {  	_ =	shalt  }
0x61: {  	_ =	shalt  }
0x62: {  	_ =	shalt  }
0x63: {  	_ =	shalt  }
0x64: {  	_ =	shalt  }
0x65: {  	_ =	shalt  }
0x66: {  	_ =	shalt  }
0x67: {  	_ =	shalt  }
0x68: {  	_ =	shalt  }
0x69: {  	_ =	shalt  }
0x6a: {  	_ =	shalt  }
0x6b: {  	_ =	shalt  }
0x6c: {  	_ =	shalt  }
0x6d: {  	_ =	shalt  }
0x6e: {  	_ =	shalt  }
0x6f: {  	_ =	shalt  }
0x70: {  	_ =	shalt  }
0x71: {  	_ =	shalt  }
0x72: {  	_ =	shalt  }
0x73: {  	_ =	shalt  }
0x74: {  	_ =	shalt  }
0x75: {  	_ =	shalt  }
0x76: {  	_ =	shalt  }
0x77: {  	_ =	shalt  }
0x78: {  	_ =	shalt  }
0x79: {  	_ =	shalt  }
0x7a: {  	_ =	shalt  }
0x7b: {  	_ =	shalt  }
0x7c: {  	_ =	shalt  }
0x7d: {  	_ =	shalt  }
0x7e: {  	_ =	shalt  }
0x7f: {  	_ =	shalt  }
0x80: {  	_ =	shalt  }
0x81: {  	_ =	shalt  }
0x82: {  	_ =	shalt  }
0x83: {  	_ =	shalt  }
0x84: {  	_ =	shalt  }
0x85: {  	_ =	shalt  }
0x86: {  	_ =	shalt  }
0x87: {  	_ =	shalt  }
.Lfunc_end0:
.L_simem_size_0:
called_computation_lowered:
.L_overlay_start_0:
0x88: {  	s2 =	sld [smem:$0x3FD9]  }
0x89: {  	s3 =	sld [smem:$0x3FFE];
	_ =	sdelay $0x1  }
0x8a: {  	s1 =	srdreg.scid  }
0x8b: {  	s0 =	sand.u32 $0x1, s1  }
0x8c: {  	s16 =	sshll.u32 s0, $0xA;
	s2 =	sadd.s32 s3, s2  }
0x8d: {  	s2 =	sadd.s32 s2, s16  }
0x8e: {  	[smem:$0x3FC3] =	sst s2  }
0x8f: {  	_ = 	snop  }
0x90: {  	(tm) =	ssettm $0x1  }
0x91: {  	s17 =	sld [smem:$0x3FFB];
	_ =	sdelay $0x3  }
0x92: {  	_ =	strace s17  }
0x93: {  	s2 =	sld [smem:$0x3FFC];
	_ =	sdelay $0x3  }
0x94: {  	_ =	strace s2  }
0x95: {  	s2 =	sld [smem:$0x3FFD];
	_ =	sdelay $0x3  }
0x96: {  	_ =	strace s2  }
0x97: {  	_ =	strace $0x8FFFFFFF  }
0x98: {  	s18 =	sld [smem:$0x3FDB];
	_ =	sdelay $0x1  }
0x99: {  	s19 =	simm.s32 $_scs_section_size  }
0x9a: {  	s4 =	simm.s32 $_size__tile_overlayer_lowered;
	s5 =	simm.s32 $_tile_overlayer_lowered  }
0x9b: {  	s22 =	simm.s32 $0x1BFF;
	s21 =	sshll.u32 s5, $0x1;
	s2 =	sadd.s32 s19, s18  }
0x9c: {  	s6 =	simm.s32 $0x0;
	s20 =	sshll.u32 s4, $0x1;
	s4 =	sadd.s32 s21, s2  }
0x9d: {  	[timem:s6], [sflag:s22] =	dma.local [hbm:s4], s20  }
0x9e: {  	_ =	swait.ge [sflag:s22], s20  }
0x9f: {  	s3 =	ssub.s32 $0x0, s20;
	[sflag:s22] =	ssyncset.done $0x0  }
0xa0: {  	[sflag:s22] =	ssyncadd.s32 s3;
	_ =	sdelay $0x1  }
0xa1: {  	s23 =	simm.s32 $0x1B8B  }
0xa2: {  	_ =	swait.ge [sflag:s23], $0x1  }
0xa3: {  	[sflag:s23] =	ssyncset.done $0x0  }
0xa4: {  	s25 =	simm.s32 $0x1B8E;
	s24 =	sld [smem:$0x3FFE];
	[sflag:s23] =	ssyncadd.s32 $0xFFFFFFFF  }
0xa5: {  	s26 =	simm.s32 $execute0_lowered;
	[smem:$0x3FD2] =	sst s25  }
0xa6: {  	s4 =	sshll.u32 s26, $0x1;
	_ =	strace $0x80000046;
	[dreg:$0x1] =	wrdreg $0xFFFFFFFF  }
0xa7: {  	s28 =	simm.s32 $_size_execute0_lowered;
	s2 =	sadd.s32 s2, s4;
	[dreg:$0x0] =	wrdreg $0x0  }
0xa8: {  	s4 =	sshll.u32 s28, $0x1;
	[dreg:$0x2] =	wrdreg s2  }
0xa9: {  	[dreg:$0x3] =	wrdreg s4  }
0xaa: {  	[dreg:$0x4] =	wrdreg $0xC0  }
0xab: {  	_ =	task [dreg:s6], $0x5FFFF  }
0xac: {  	[dreg:$0x1] =	wrdreg $0xFFFFFFFF  }
0xad: {  	[dreg:$0x0] =	wrdreg $0x60  }
0xae: {  	[dreg:$0x2] =	wrdreg s24  }
0xaf: {  	[dreg:$0x3] =	wrdreg $0x9  }
0xb0: {  	_ =	task.clear_ibuf [dreg:s6], $0x4FFFF;
	_ =	strace $0x90000046  }
0xb1: {  	s29 =	simm.s32 $0x9;
	_ =	strace $0x80000048  }
0xb2: {  	_ =	swait.ge [sflag:s29], $0x1  }
0xb3: {  	[sflag:s29] =	ssyncadd.s32 $0xFFFFFFFF  }
0xb4: {  	_ =	strace $0x90000048  }
0xb5: {  	_ =	sfence  }
0xb6: {  	s30 =	sld [smem:$0x0];
	_ =	sdelay $0x2  }
0xb7: {  	s31 =	sshll.u32 s1, $0xD;
	s1 =	sshrl.u32 s1, $0x2  }
0xb8: {  	s3 =	sand.u32 $0x4000, s31;
	s1 =	sadd.s32 s1, s30  }
0xb9: {  	s0 =	sor.u32 s3, s0;
	s1 =	sshll.u32 s1, $0x11  }
0xba: {  	s0 =	sor.u32 s1, s0  }
0xbb: {  	s0 =	sadd.s32 $0x8F2B, s0  }
0xbc: {  	[sflag:s0] =	ssyncadd.remote.s32 $0x1  }
0xbd: {  	_ =	sfence.sel $0xFFFF  }
0xbe: {  	[dreg:$0x0] =	wrdreg $0xFFFFFFFF;
	(pc) =	sbr.abs _section_cstart, $3  }
0xbf: {  	[dreg:$0x1] =	wrdreg $0xFFFFFFFF  }
0xc0: {  	_ =	task.clear_ibuf [dreg:s6], $0x2FFFF;
	_ =	strace $0x9FFFFFFF  }
0xc1: {  	(tm) =	ssettm $0x7FFFFFFF  }
tec
execute0_lowered:
.L_overlay_start_1:
0x0: {  	(tag) =	ssettag $0x1  }
0x1: {  	s0 =	srdreg.scid;
	s5 =	rddreg [dreg:$0x0]  }
0x2: {  	s1 =	stileid.u32;
	s6 =	simm.s32 $0x1;
	s9 =	simm.s32 $0x1  }
0x3: {  	s10 =	simm.s32 $0x3;
	s13 =	simm.s32 $0x0;
	s2 =	sshll.u32 s0, $0x8  }
0x4: {  	s12 =	simm.s32 $0x0;
	s3 =	sshll.u32 s1, $0x9;
	s2 =	sand.u32 $0x100, s2  }
0x5: {  	s0 =	rddreg [dreg:$0x1];
	_ =	strace $0x80000047;
	s2 =	sor.u32 s3, s2  }
0x6: {  	s4 =	sadd.s32 $0x1C00, s5;
	[sflag:s6] =	ssyncpa.u1 $0x0;
	s8 =	ssub.s32 $0x3400, s2  }
.Ltmp0:
0x7: {  	s3 =	sadd.s32 $0x1800, s5;
	s7 =	sand.u32 $0x1F00, s8;
	(pc) =	sbr.rel .LBB2_1-.Ltmp0, $4  }
0x8: {  	s5 =	sadd.s32 $0x2400, s5;
	s11 =	smov.u32 s2;
	p0 =	sne.s32 s7, $0x0  }
0x9: {  	s8 =	sshrl.u32 s8, $0xD;
	s7 =	simm.s32 $0x2;
	s9 =	simm.s32 @!p0 $0x0  }
0xa: {  	[sflag:s7] =	ssyncpa.u1 $0x0;
	p0 =	por $0x0, $0x0;
	s8 =	sadd.s32 s9, s8  }
0xb: {  	vm0 =	vmmov $0xffff;
	[sflag:s10] =	ssyncpa.u1 $0x0;
	s10 =	simm.s32 $0x0;
	s9 =	sadd.s32 $0x1, s8  }
.LBB2_4:
0xc: {  	v5 =	vshrl.u32 v1, $0x6;
	v6 =	vshll.u32 v1, $0x7  }
0xd: {  	vm1 =	veq.s32 v1, $0x80000000;
	v58 =	vand.u32 $0x7F, v5;
	v59 =	vand.u32 $0x1F80, v6  }
0xe: {  	v1 =	vsel vm1, $0xFFFFFFFF, v58;
	v5 =	vsel vm1, $0xFFFFFF80, v59  }
0xf: {  	v3 =	vor.u32 v4, v3;
	v60 =	vand.u32 $0xFFFFFC00, v5;
	v61 =	vand.u32 $0xFFFFFC00, v1  }
0x10: {  	v2 =	vor.u32 v2, v3;
	v63 =	vand.u32 $0x380, v5;
	v62 =	vadd.s32 v61, v60  }
0x11: {  	v1 =	vand.u32 $0x7F, v1;
	v3 =	vor.u32 v63, v62  }
0x12: {  	v1 =	vor.u32 v1, v3  }
0x13: {  	[tilespmem:s15], [sflag:$0x1] =	stream.indirect_vreg.gather [hbm4b:s3+s10], $0x1, v0, vm0, $0x4038;
	[tilespmem:$0x400] =	vst v63  }
0x14: {  	(ifvalue) =	ssetifvalue $0x7FFFFFFF  }
0x15: {  	[tilespmem:s16], [sflag:$0x1] =	stream.indirect_vreg.gather [hbm4b:s3+s10], $0x1, v2, vm0, $0x4038;
	[tilespmem:$0x400] =	vst v63  }
0x16: {  	s29 =	sadd.s32 $0x10, s16;
	(ifvalue) =	ssetifvalue $0x7FFFFFFF  }
0x17: {  	[tilespmem:s29], [sflag:$0x1] =	stream.indirect_vreg.gather [hbm4b:s3+s10], $0x1, v1, vm0, $0x4038;
	[tilespmem:$0x400] =	vst v63  }
0x18: {  	_ =	swait.ge [sflag:s6], $0x100  }
0x19: {  	s30 =	sshrl.u32 s13, $0x3;
	[sflag:s6] =	ssyncset.done $0x0  }
0x1a: {  	s31 =	sand.u32 $0x7, s13;
	s15 =	sadd.s32 s5, s30;
	[sflag:s6] =	ssyncadd.s32 $0xFFFFFF00  }
0x1b: {  	[hbm4b:s15+s31] =	stream.linear.scatter [tilespmem:s14], [sflag:$0x3], $0x100, $0x38;
	[tilespmem:$0x400] =	vst v63  }
.LBB2_5:
0x1c: {  	s15 =	sadd.s32 $0x2000, s11  }
0x1d: {  	p2 =	sgt.s32 s15, $0x33FF  }
0x1e: {  	s15 =	smov.u32 @p2 s2;
	p2 =	sne.s32 s12, s9  }
.Ltmp1:
0x1f: {  	p1 =	slt.u32 s12, $0x2;
	(pc) =	sbr.rel @!p2 .LBB2_6-.Ltmp1, $4  }
0x20: {  	s14 =	simm.s32 @!p1 $0x3  }
0x21: {  	s16 =	sadd.s32 $0x1, s12;
	_ =	swait.ge @!p1 [sflag:s14], $0x100  }
0x22: {  	s13 =	smov.u32 s11;
	p0 =	por !p0, !p0;
	[sflag:s14] =	ssyncset.done @!p1 $0x0  }
0x23: {  	s12 =	smov.u32 s16;
	s11 =	smov.u32 s15;
	[sflag:s14] =	ssyncadd.s32 @!p1 $0xFFFFFF00  }
.LBB2_1:
0x24: {  	p1 =	sge.u32 s12, s8  }
0x25: {  	s14 =	sxor.u32 @!p1 $0xFFFFFFFF, s12  }
0x26: {  	s31 =	sadd.s32 $0xFFFFFFFF, s12;
	s15 =	sshrl.u32 @!p1 s11, $0x3;
	s14 =	sshll.u32 @!p1 s14, $0x8  }
0x27: {  	s16 =	sand.u32 @!p1 $0x7, s11;
	s15 =	sadd.s32 @!p1 s4, s15;
	s14 =	sand.u32 @!p1 $0x100, s14  }
0x28: {  	[tilespmem:s14], [sflag:$0x2] =	stream.linear.gather @!p1 [hbm4b:s15+s16], $0x100, $0x38;
	[tilespmem:$0x400] =	vst v63  }
0x29: {  	p1 =	sge.u32 s31, s8  }
.Ltmp2:
0x2a: {  	_ = 	snop;
	(pc) =	sbr.rel @p1 .LBB2_5-.Ltmp2, $1  }
0x2b: {  	_ =	sdelay $0x3  }
0x2c: {  	s14 =	simm.s32 $0x1  }
0x2d: {  	_ =	swait.ge [sflag:s7], $0x100;
	s14 =	simm.s32 @!p0 $0x0  }
0x2e: {  	[sflag:s7] =	ssyncset.done $0x0;
	s14 =	sshll.u32 s14, $0x8  }
0x2f: {  	[sflag:s7] =	ssyncadd.s32 $0xFFFFFF00;
	(ifvalue) =	ssetifvalue $0x7FFFFFFF;
	v0 =	vld.msk [tilespmem:s14+$0x0 ss:$0x1], $0xffff;
	_ =	sdelay $0x4  }
0x30: {  	s15 =	sadd.s32 $0x10, s14;
	v2 =	vshrl.u32 v0, $0x6;
	v3 =	vshll.u32 v0, $0x7  }
0x31: {  	v1 =	vld.msk [tilespmem:s15+$0x0 ss:$0x1], $0xffff;
	vm1 =	veq.s32 v0, $0x80000000;
	v0 =	vand.u32 $0x7F, v2;
	v2 =	vand.u32 $0x1F80, v3  }
0x32: {  	v0 =	vsel vm1, $0xFFFFFFFF, v0;
	v2 =	vsel vm1, $0xFFFFFF80, v2  }
0x33: {  	v3 =	vand.u32 $0xFFFFFC00, v2;
	v4 =	vand.u32 $0xFFFFFC00, v0  }
0x34: {  	v2 =	vand.u32 $0x380, v2;
	v3 =	vadd.s32 v4, v3  }
0x35: {  	v0 =	vand.u32 $0x7F, v0;
	v2 =	vor.u32 v2, v3  }
0x36: {  	v5 =	vshll.u32 v1, $0x7;
	v4 =	vshrl.u32 v1, $0x6;
	v0 =	vor.u32 v0, v2  }
0x37: {  	s16 =	sshll.u32 s12, $0x8;
	vm1 =	veq.s32 v1, $0x80000000;
	v1 =	vand.u32 $0x7F, v4;
	v4 =	vand.u32 $0x1F80, v5  }
0x38: {  	s16 =	sand.u32 $0x100, s16;
	s18 =	sadd.s32 $0x10, s15;
	v3 =	vsel vm1, $0xFFFFFFFF, v1;
	v4 =	vsel vm1, $0xFFFFFF80, v4  }
0x39: {  	s17 =	simm.s32 $0x20;
	s15 =	sor.u32 $0x200, s14;
	s14 =	sor.u32 $0x200, s16;
	v1 =	vld.msk [tilespmem:s18+$0x0 ss:$0x1], $0xffff;
	v5 =	vand.u32 $0xFFFFFC00, v4;
	v6 =	vand.u32 $0xFFFFFC00, v3  }
0x3a: {  	s16 =	sadd.s32 $0x10, s15;
	s18 =	sadd.s32 $0x10, s18;
	(ifvalue) =	ssetifvalue $0x7FFFFFFF;
	v2 =	vand.u32 $0x7F, v3;
	v4 =	vand.u32 $0x380, v4;
	v3 =	vadd.s32 v6, v5  }
.LBB2_3:
0x3b: {  	[tilespmem:s15], [sflag:$0x1] =	stream.indirect_vreg.gather [hbm4b:s3+s10], $0x1, v0, vm0, $0x4038;
	[tilespmem:$0x400] =	vst v63  }
0x3c: {  	s17 =	sadd.s32 $0x10, s17  }
0x3d: {  	v3 =	vor.u32 v4, v3;
	p1 =	slt.u32 s17, $0xF0  }
.Ltmp3:
0x3e: {  	v4 =	vshrl.u32 v1, $0x6;
	v5 =	vshll.u32 v1, $0x7;
	s15 =	smov.u32 s16;
	v0 =	vor.u32 v2, v3;
	v2 =	vmovc v1;
	v1 =	vld.msk [tilespmem:s18+$0x0 ss:$0x1], $0xffff;
	(pc) =	sbr.rel @p1 .LBB2_3-.Ltmp3, $4  }
0x3f: {  	v3 =	vand.u32 $0x1F80, v5;
	vm1 =	veq.s32 v2, $0x80000000;
	v2 =	vand.u32 $0x7F, v4  }
0x40: {  	v4 =	vsel vm1, $0xFFFFFFFF, v2;
	v5 =	vsel vm1, $0xFFFFFF80, v3  }
0x41: {  	v2 =	vand.u32 $0x7F, v4;
	v3 =	vand.u32 $0xFFFFFC00, v5;
	v4 =	vand.u32 $0xFFFFFC00, v4  }
0x42: {  	s16 =	sadd.s32 $0x10, s16;
	s18 =	sadd.s32 $0x10, s18;
	v3 =	vadd.s32 v4, v3;
	v4 =	vand.u32 $0x380, v5;
	(ifvalue) =	ssetifvalue $0x7FFFFFFF  }
.Ltmp4:
0x43: {  	_ = 	snop;
	(pc) =	sbr.rel .LBB2_4-.Ltmp4, $1  }
0x44: {  	_ =	sdelay $0x3  }
.LBB2_6:
0x45: {  	_ =	sfence.sel $0x180000  }
0x46: {  	s2 =	simm.s32 $0x2;
	[bflag:$0x0] =	sbarrier.arrive $0xFFFF  }
0x47: {  	s30 =	simm.s32 $0x3;
	[sflag:s2] =	ssyncpa.u1 $0x1  }
0x48: {  	s31 =	simm.s32 $0x1;
	[sflag:s30] =	ssyncpa.u1 $0x1  }
0x49: {  	[sflag:s31] =	ssyncpa.u1 $0x1  }
0x4a: {  	p0 =	sne.s32 s1, $0x0;
	_ =	strace $0x90000047  }
0x4b: {  	s0 =	sadd.s32 @!p0 $0x100000, s0;
	[bflag:$0x2] =	sbarrier.arrive $0xFFFF  }
0x4c: {  	[sflag:s0] =	ssyncadd.tile.s32 @!p0 $0x1;
	_ =	shalt  }
.Lfunc_end2:
_tile_overlayer_lowered:
.L_overlay_start_2:
0x4d: {  	(tag) =	ssettag $0x2  }
0x4e: {  	s0 =	rddreg [dreg:$0x0];
	s2 =	stileid.u32  }
0x4f: {  	s1 =	rddreg [dreg:$0x1];
	p0 =	sne.s32 s2, $0x0  }
0x50: {  	s3 =	rddreg [dreg:$0x2];
	[bflag:$0x3] =	sbarrier.arrive $0xFFFF;
	s2 =	simm.s32 @!p0 $0x1C01  }
0x51: {  	[timem:s3], [sflag:s2] =	dma.local @!p0 [hbm:s0], s1  }
0x52: {  	s0 =	simm.s32 @!p0 $0x1  }
0x53: {  	_ =	swait.ge @!p0 [sflag:s0], s1  }
0x54: {  	s1 =	ssub.s32 @!p0 $0x0, s1;
	[sflag:s0] =	ssyncset.done @!p0 $0x0  }
0x55: {  	[sflag:s0] =	ssyncadd.s32 @!p0 s1  }
0x56: {  	[bflag:$0x3] =	sbarrier.arrive $0xFFFF  }
0x57: {  	_ =	shalt  }

</sc_bundles>
